<compile_context>
chip_gen: v7x
topology: tpu7x:2x2x1
jax: 0.10.2.dev20260603
libtpu: 0.0.44.dev20260713+nightly
codegen_flags: <defaults>
</compile_context>

<pallas_src>
import functools

import jax
import jax.numpy as jnp
from jax import lax
from jax.experimental import pallas as pl
from jax.experimental.pallas import tpu as pltpu
from jax.experimental.pallas import tpu_sc as plsc

N_NODES = 50000
FEAT = 896
HIDDEN = 64
NUM_CLASSES = 2
BATCH = 16384

ZCOL = 16
ZSTRIDE = 128
ROWS_BLK = 4096

_NC, _NS = 2, 16
_NW = _NC * _NS
_CH = 128
_NCH = BATCH // _NW // _CH
_L = 16


def _mlp_body(a_ref, w1_ref, w2_ref, z_ref):
    h = jnp.dot(a_ref[...].astype(jnp.bfloat16), w1_ref[...],
                preferred_element_type=jnp.float32)
    h = jnp.where(h >= 0, h, 0.3 * h)
    z_ref[...] = jnp.dot(h.astype(jnp.bfloat16), w2_ref[...],
                         preferred_element_type=jnp.float32)


def _mlp_all_rows(agg_table, w1, w2pad):
    grid = (N_NODES + ROWS_BLK - 1) // ROWS_BLK
    return pl.pallas_call(
        _mlp_body,
        grid=(grid,),
        in_specs=[
            pl.BlockSpec((ROWS_BLK, FEAT), lambda i: (i, 0)),
            pl.BlockSpec((FEAT, HIDDEN), lambda i: (0, 0)),
            pl.BlockSpec((HIDDEN, ZSTRIDE), lambda i: (0, 0)),
        ],
        out_specs=pl.BlockSpec((ROWS_BLK, ZSTRIDE), lambda i: (i, 0)),
        out_shape=jax.ShapeDtypeStruct((N_NODES, ZSTRIDE), jnp.float32),
        compiler_params=pltpu.CompilerParams(
            dimension_semantics=("parallel",),
            vmem_limit_bytes=120 * 1024 * 1024,
        ),
    )(agg_table, w1, w2pad)


_ECH = BATCH * NUM_CLASSES // _NW // _CH


@functools.cache
def _sc_gather_kernel():
    n_per_w = BATCH // _NW
    e_per_w = n_per_w * NUM_CLASSES

    @functools.partial(
        pl.kernel,
        out_type=jax.ShapeDtypeStruct((_NW, e_per_w), jnp.float32),
        mesh=plsc.VectorSubcoreMesh(
            core_axis_name="c", subcore_axis_name="s", num_cores=_NC),
        scratch_types=[
            pltpu.VMEM((n_per_w,), jnp.int32),
            pltpu.VMEM((e_per_w,), jnp.int32),
            pltpu.VMEM((e_per_w,), jnp.float32),
            pltpu.SemaphoreType.DMA,
        ],
    )
    def _sc_gather(z_hbm, idx_hbm, out_hbm, idx_v, eidx_v, out_v, sem):
        wid = lax.axis_index("s") * _NC + lax.axis_index("c")
        pltpu.sync_copy(idx_hbm.at[wid], idx_v)
        for g in range(n_per_w // _L):
            node = idx_v[pl.ds(g * _L, _L)]
            base = jnp.left_shift(node, 7)
            for c in range(NUM_CLASSES):
                eidx_v[pl.ds(c * n_per_w + g * _L, _L)] = base + c
        copies = [
            pltpu.async_copy(
                z_hbm.at[eidx_v.at[pl.ds(j * _CH, _CH)]],
                out_v.at[pl.ds(j * _CH, _CH)], sem)
            for j in range(e_per_w // _CH)
        ]
        for c in copies:
            c.wait()
        pltpu.sync_copy(out_v, out_hbm.at[wid])

    return _sc_gather


def kernel(nodes, agg_table, weight_model, weight_model2):
    w2pad = jnp.zeros((HIDDEN, ZSTRIDE), jnp.float32).at[:, :NUM_CLASSES].set(
        weight_model2).astype(jnp.bfloat16)
    z8 = _mlp_all_rows(agg_table, weight_model.astype(jnp.bfloat16), w2pad)
    idx = nodes.reshape(_NW, BATCH // _NW)
    g = _sc_gather_kernel()(z8.reshape(N_NODES * ZSTRIDE), idx)
    n_per_w = BATCH // _NW
    return (g.reshape(_NW, NUM_CLASSES, n_per_w)
            .transpose(0, 2, 1).reshape(BATCH, NUM_CLASSES))

# --- scband reference (transcript-rebuilt; emitter-appended) ---
"""Pipeline reference for scband-fraudre-60275571032690 (READ-ONLY COPY).

The authoritative reference and input builder live on the scoring server;
editing this copy changes nothing except your own understanding.
"""

import jax, jax.numpy as jnp
import numpy as np
import math

N_NODES = 50000
K = 2
EMBED_DIM = 128
FEAT = (2 ** (K + 1) - 1) * EMBED_DIM  # 896
HIDDEN = 64
NUM_CLASSES = 2
BATCH = 16384


def _xavier_uniform(key, shape):
    fan_in, fan_out = shape[0], shape[1]
    limit = math.sqrt(6.0 / (fan_in + fan_out))
    return jax.random.uniform(key, shape, minval=-limit, maxval=limit, dtype=jnp.float32)


def setup_inputs(seed: int = 0) -> dict:
    key = jax.random.key(seed)
    k1, k2, k3, k4 = jax.random.split(key, 4)
    nodes = jax.random.randint(k1, (BATCH,), 0, N_NODES, dtype=jnp.int32)
    # agg is an external inter-relation aggregator producing per-node embeddings of
    # dim (2^(K+1)-1)*embed_dim; modeled as a learned per-node embedding table lookup.
    agg_table = jax.random.normal(k2, (N_NODES, FEAT), dtype=jnp.float32) * 0.1
    weight_model = _xavier_uniform(k3, (FEAT, HIDDEN))
    weight_model2 = _xavier_uniform(k4, (HIDDEN, NUM_CLASSES))
    return {"nodes": nodes, "agg_table": agg_table, "weight_model": weight_model, "weight_model2": weight_model2}


def reference(nodes, agg_table, weight_model, weight_model2):
    # embedding = self.agg(nodes, train_flag) -> gather per-node aggregated embeddings
    embedding = jnp.take(agg_table, nodes, axis=0)
    # scores_model = embedding.mm(self.weight_model)
    scores_model = embedding @ weight_model
    # LeakyReLU(0.3)
    scores_model = jnp.where(scores_model >= 0, scores_model, 0.3 * scores_model)
    # scores_model = scores_model.mm(self.weight_model2)
    scores_model = scores_model @ weight_model2
    return scores_model

if __name__ == "__main__":
    import jax
    _d = setup_inputs()
    print(jax.jit(kernel)(*tuple(_d.values())))

</pallas_src>

<mosaic_0001>
#map = affine_map<(d0, d1) -> (0)>
#map1 = affine_map<(d0, d1) -> (0, 0)>
module attributes {stable_mosaic.version = 14 : i64} {
  func.func @_sc_gather(%arg0: i32, %arg1: i32, %arg2: memref<6400000xf32, #tpu.memory_space<hbm>>, %arg3: memref<32x512xi32, #tpu.memory_space<hbm>>, %arg4: memref<32x1024xf32, #tpu.memory_space<hbm>>, %arg5: memref<512xi32, #tpu.memory_space<vmem>>, %arg6: memref<1024xi32, #tpu.memory_space<vmem>>, %arg7: memref<1024xf32, #tpu.memory_space<vmem>>, %arg8: memref<!tpu.dma_semaphore, #tpu.memory_space<semaphore_mem>>) attributes {dimension_semantics = [#tpu.dimension_semantics<core_parallel>, #tpu.dimension_semantics<subcore_parallel>], iteration_bounds = array<i64: 2, 16>, scalar_prefetch = 0 : i64, scratch_operands = 4 : i64, tpu.core_type = #tpu.core_type<sc_vector_subcore>, window_params = [{transform_indices = #map}, {transform_indices = #map1}, {transform_indices = #map1}]} {
    %mul3A = arith.constant 2 : i32
    %mul3A_0 = arith.muli %arg1, %mul3A : i32
    %add3A = arith.addi %mul3A_0, %arg0 : i32
    "tpu.region"() ({
      %run_scoped3A = tpu.sem_alloc : memref<!tpu.dma_semaphore, #tpu.memory_space<semaphore_mem>>
      %dma_start3A_732 = arith.constant 0 : i32
      %dma_start3A_733 = tpu.memref_slice %arg3[%add3A, %dma_start3A_732] : memref<32x512xi32, #tpu.memory_space<hbm>> -> memref<1x512xi32, #tpu.memory_space<hbm>>
      %dma_start3A_734 = tpu.memref_squeeze %dma_start3A_733 : memref<1x512xi32, #tpu.memory_space<hbm>> -> memref<512xi32, #tpu.memory_space<hbm>>
      %dma_start3A_735 = arith.constant 0 : i32
      %dma_start3A_736 = tpu.memref_slice %arg3[%add3A, %dma_start3A_735] : memref<32x512xi32, #tpu.memory_space<hbm>> -> memref<1x512xi32, #tpu.memory_space<hbm>>
      %dma_start3A_737 = tpu.memref_squeeze %dma_start3A_736 : memref<1x512xi32, #tpu.memory_space<hbm>> -> memref<512xi32, #tpu.memory_space<hbm>>
      tpu.enqueue_dma source(%dma_start3A_737 : memref<512xi32, #tpu.memory_space<hbm>>) target(%arg5 : memref<512xi32, #tpu.memory_space<vmem>>) target_semaphore(%run_scoped3A : memref<!tpu.dma_semaphore, #tpu.memory_space<semaphore_mem>>)
      %dma_wait3A_738 = arith.constant 0 : i32
      %dma_wait3A_739 = tpu.memref_slice %arg3[%add3A, %dma_wait3A_738] : memref<32x512xi32, #tpu.memory_space<hbm>> -> memref<1x512xi32, #tpu.memory_space<hbm>>
      %dma_wait3A_740 = tpu.memref_squeeze %dma_wait3A_739 : memref<1x512xi32, #tpu.memory_space<hbm>> -> memref<512xi32, #tpu.memory_space<hbm>>
      %dma_wait3A_741 = arith.constant 0 : i32
      %dma_wait3A_742 = tpu.memref_slice %arg3[%add3A, %dma_wait3A_741] : memref<32x512xi32, #tpu.memory_space<hbm>> -> memref<1x512xi32, #tpu.memory_space<hbm>>
      %dma_wait3A_743 = tpu.memref_squeeze %dma_wait3A_742 : memref<1x512xi32, #tpu.memory_space<hbm>> -> memref<512xi32, #tpu.memory_space<hbm>>
      tpu.wait_dma2 semaphore(%run_scoped3A : memref<!tpu.dma_semaphore, #tpu.memory_space<semaphore_mem>>) src(%dma_wait3A_743 : memref<512xi32, #tpu.memory_space<hbm>>) dst(%arg5 : memref<512xi32, #tpu.memory_space<vmem>>)
      tpu.yield
    }) : () -> ()
    %get3A = arith.constant 0 : index
    %get3A_1 = tpu.vector_load %arg5[%get3A] {strides = array<i32>} : memref<512xi32, #tpu.memory_space<vmem>>, vector<16xi32>,
    %get3A_2 = vector.shape_cast %get3A_1 : vector<16xi32> to vector<16xi32>
    %shift_left3A = arith.constant 7 : i32
    %shift_left3A_3 = vector.broadcast %shift_left3A : i32 to vector<16xi32>
    %shift_left3A_4 = arith.shli %get3A_2, %shift_left3A_3 : vector<16xi32>
    %add3A_5 = arith.constant 0 : i32
    %add3A_6 = vector.broadcast %add3A_5 : i32 to vector<16xi32>
    %add3A_7 = arith.addi %shift_left3A_4, %add3A_6 : vector<16xi32>
    %swap3A = arith.constant 0 : index
    %swap3A_8 = tpu.vector_load %arg6[%swap3A] {strides = array<i32>} : memref<1024xi32, #tpu.memory_space<vmem>>, vector<16xi32>,
    %swap3A_9 = vector.shape_cast %swap3A_8 : vector<16xi32> to vector<16xi32>
    %swap3A_10 = vector.shape_cast %add3A_7 : vector<16xi32> to vector<16xi32>
    tpu.vector_store %arg6[%swap3A], %swap3A_10 {strides = array<i32>} : memref<1024xi32, #tpu.memory_space<vmem>>, vector<16xi32>,
    %add3A_11 = arith.constant 1 : i32
    %add3A_12 = vector.broadcast %add3A_11 : i32 to vector<16xi32>
    %add3A_13 = arith.addi %shift_left3A_4, %add3A_12 : vector<16xi32>
    %swap3A_14 = arith.constant 512 : index
    %swap3A_15 = tpu.vector_load %arg6[%swap3A_14] {strides = array<i32>} : memref<1024xi32, #tpu.memory_space<vmem>>, vector<16xi32>,
    %swap3A_16 = vector.shape_cast %swap3A_15 : vector<16xi32> to vector<16xi32>
    %swap3A_17 = vector.shape_cast %add3A_13 : vector<16xi32> to vector<16xi32>
    tpu.vector_store %arg6[%swap3A_14], %swap3A_17 {strides = array<i32>} : memref<1024xi32, #tpu.memory_space<vmem>>, vector<16xi32>,
    %get3A_18 = arith.constant 16 : index
    %get3A_19 = tpu.vector_load %arg5[%get3A_18] {strides = array<i32>} : memref<512xi32, #tpu.memory_space<vmem>>, vector<16xi32>,
    %get3A_20 = vector.shape_cast %get3A_19 : vector<16xi32> to vector<16xi32>
    %shift_left3A_21 = arith.constant 7 : i32
    %shift_left3A_22 = vector.broadcast %shift_left3A_21 : i32 to vector<16xi32>
    %shift_left3A_23 = arith.shli %get3A_20, %shift_left3A_22 : vector<16xi32>
    %add3A_24 = arith.constant 0 : i32
    %add3A_25 = vector.broadcast %add3A_24 : i32 to vector<16xi32>
    %add3A_26 = arith.addi %shift_left3A_23, %add3A_25 : vector<16xi32>
    %swap3A_27 = arith.constant 16 : index
    %swap3A_28 = tpu.vector_load %arg6[%swap3A_27] {strides = array<i32>} : memref<1024xi32, #tpu.memory_space<vmem>>, vector<16xi32>,
    %swap3A_29 = vector.shape_cast %swap3A_28 : vector<16xi32> to vector<16xi32>
    %swap3A_30 = vector.shape_cast %add3A_26 : vector<16xi32> to vector<16xi32>
    tpu.vector_store %arg6[%swap3A_27], %swap3A_30 {strides = array<i32>} : memref<1024xi32, #tpu.memory_space<vmem>>, vector<16xi32>,
    %add3A_31 = arith.constant 1 : i32
    %add3A_32 = vector.broadcast %add3A_31 : i32 to vector<16xi32>
    %add3A_33 = arith.addi %shift_left3A_23, %add3A_32 : vector<16xi32>
    %swap3A_34 = arith.constant 528 : index
    %swap3A_35 = tpu.vector_load %arg6[%swap3A_34] {strides = array<i32>} : memref<1024xi32, #tpu.memory_space<vmem>>, vector<16xi32>,
    %swap3A_36 = vector.shape_cast %swap3A_35 : vector<16xi32> to vector<16xi32>
    %swap3A_37 = vector.shape_cast %add3A_33 : vector<16xi32> to vector<16xi32>
    tpu.vector_store %arg6[%swap3A_34], %swap3A_37 {strides = array<i32>} : memref<1024xi32, #tpu.memory_space<vmem>>, vector<16xi32>,
    %get3A_38 = arith.constant 32 : index
    %get3A_39 = tpu.vector_load %arg5[%get3A_38] {strides = array<i32>} : memref<512xi32, #tpu.memory_space<vmem>>, vector<16xi32>,
    %get3A_40 = vector.shape_cast %get3A_39 : vector<16xi32> to vector<16xi32>
    %shift_left3A_41 = arith.constant 7 : i32
    %shift_left3A_42 = vector.broadcast %shift_left3A_41 : i32 to vector<16xi32>
    %shift_left3A_43 = arith.shli %get3A_40, %shift_left3A_42 : vector<16xi32>
    %add3A_44 = arith.constant 0 : i32
    %add3A_45 = vector.broadcast %add3A_44 : i32 to vector<16xi32>
    %add3A_46 = arith.addi %shift_left3A_43, %add3A_45 : vector<16xi32>
    %swap3A_47 = arith.constant 32 : index
    %swap3A_48 = tpu.vector_load %arg6[%swap3A_47] {strides = array<i32>} : memref<1024xi32, #tpu.memory_space<vmem>>, vector<16xi32>,
    %swap3A_49 = vector.shape_cast %swap3A_48 : vector<16xi32> to vector<16xi32>
    %swap3A_50 = vector.shape_cast %add3A_46 : vector<16xi32> to vector<16xi32>
    tpu.vector_store %arg6[%swap3A_47], %swap3A_50 {strides = array<i32>} : memref<1024xi32, #tpu.memory_space<vmem>>, vector<16xi32>,
    %add3A_51 = arith.constant 1 : i32
    %add3A_52 = vector.broadcast %add3A_51 : i32 to vector<16xi32>
    %add3A_53 = arith.addi %shift_left3A_43, %add3A_52 : vector<16xi32>
    %swap3A_54 = arith.constant 544 : index
    %swap3A_55 = tpu.vector_load %arg6[%swap3A_54] {strides = array<i32>} : memref<1024xi32, #tpu.memory_space<vmem>>, vector<16xi32>,
    %swap3A_56 = vector.shape_cast %swap3A_55 : vector<16xi32> to vector<16xi32>
    %swap3A_57 = vector.shape_cast %add3A_53 : vector<16xi32> to vector<16xi32>
    tpu.vector_store %arg6[%swap3A_54], %swap3A_57 {strides = array<i32>} : memref<1024xi32, #tpu.memory_space<vmem>>, vector<16xi32>,
    %get3A_58 = arith.constant 48 : index
    %get3A_59 = tpu.vector_load %arg5[%get3A_58] {strides = array<i32>} : memref<512xi32, #tpu.memory_space<vmem>>, vector<16xi32>,
    %get3A_60 = vector.shape_cast %get3A_59 : vector<16xi32> to vector<16xi32>
    %shift_left3A_61 = arith.constant 7 : i32
    %shift_left3A_62 = vector.broadcast %shift_left3A_61 : i32 to vector<16xi32>
    %shift_left3A_63 = arith.shli %get3A_60, %shift_left3A_62 : vector<16xi32>
    %add3A_64 = arith.constant 0 : i32
    %add3A_65 = vector.broadcast %add3A_64 : i32 to vector<16xi32>
    %add3A_66 = arith.addi %shift_left3A_63, %add3A_65 : vector<16xi32>
    %swap3A_67 = arith.constant 48 : index
    %swap3A_68 = tpu.vector_load %arg6[%swap3A_67] {strides = array<i32>} : memref<1024xi32, #tpu.memory_space<vmem>>, vector<16xi32>,
    %swap3A_69 = vector.shape_cast %swap3A_68 : vector<16xi32> to vector<16xi32>
    %swap3A_70 = vector.shape_cast %add3A_66 : vector<16xi32> to vector<16xi32>
    tpu.vector_store %arg6[%swap3A_67], %swap3A_70 {strides = array<i32>} : memref<1024xi32, #tpu.memory_space<vmem>>, vector<16xi32>,
    %add3A_71 = arith.constant 1 : i32
    %add3A_72 = vector.broadcast %add3A_71 : i32 to vector<16xi32>
    %add3A_73 = arith.addi %shift_left3A_63, %add3A_72 : vector<16xi32>
    %swap3A_74 = arith.constant 560 : index
    %swap3A_75 = tpu.vector_load %arg6[%swap3A_74] {strides = array<i32>} : memref<1024xi32, #tpu.memory_space<vmem>>, vector<16xi32>,
    %swap3A_76 = vector.shape_cast %swap3A_75 : vector<16xi32> to vector<16xi32>
    %swap3A_77 = vector.shape_cast %add3A_73 : vector<16xi32> to vector<16xi32>
    tpu.vector_store %arg6[%swap3A_74], %swap3A_77 {strides = array<i32>} : memref<1024xi32, #tpu.memory_space<vmem>>, vector<16xi32>,
    %get3A_78 = arith.constant 64 : index
    %get3A_79 = tpu.vector_load %arg5[%get3A_78] {strides = array<i32>} : memref<512xi32, #tpu.memory_space<vmem>>, vector<16xi32>,
    %get3A_80 = vector.shape_cast %get3A_79 : vector<16xi32> to vector<16xi32>
    %shift_left3A_81 = arith.constant 7 : i32
    %shift_left3A_82 = vector.broadcast %shift_left3A_81 : i32 to vector<16xi32>
    %shift_left3A_83 = arith.shli %get3A_80, %shift_left3A_82 : vector<16xi32>
    %add3A_84 = arith.constant 0 : i32
    %add3A_85 = vector.broadcast %add3A_84 : i32 to vector<16xi32>
    %add3A_86 = arith.addi %shift_left3A_83, %add3A_85 : vector<16xi32>
    %swap3A_87 = arith.constant 64 : index
    %swap3A_88 = tpu.vector_load %arg6[%swap3A_87] {strides = array<i32>} : memref<1024xi32, #tpu.memory_space<vmem>>, vector<16xi32>,
    %swap3A_89 = vector.shape_cast %swap3A_88 : vector<16xi32> to vector<16xi32>
    %swap3A_90 = vector.shape_cast %add3A_86 : vector<16xi32> to vector<16xi32>
    tpu.vector_store %arg6[%swap3A_87], %swap3A_90 {strides = array<i32>} : memref<1024xi32, #tpu.memory_space<vmem>>, vector<16xi32>,
    %add3A_91 = arith.constant 1 : i32
    %add3A_92 = vector.broadcast %add3A_91 : i32 to vector<16xi32>
    %add3A_93 = arith.addi %shift_left3A_83, %add3A_92 : vector<16xi32>
    %swap3A_94 = arith.constant 576 : index
    %swap3A_95 = tpu.vector_load %arg6[%swap3A_94] {strides = array<i32>} : memref<1024xi32, #tpu.memory_space<vmem>>, vector<16xi32>,
    %swap3A_96 = vector.shape_cast %swap3A_95 : vector<16xi32> to vector<16xi32>
    %swap3A_97 = vector.shape_cast %add3A_93 : vector<16xi32> to vector<16xi32>
    tpu.vector_store %arg6[%swap3A_94], %swap3A_97 {strides = array<i32>} : memref<1024xi32, #tpu.memory_space<vmem>>, vector<16xi32>,
    %get3A_98 = arith.constant 80 : index
    %get3A_99 = tpu.vector_load %arg5[%get3A_98] {strides = array<i32>} : memref<512xi32, #tpu.memory_space<vmem>>, vector<16xi32>,
    %get3A_100 = vector.shape_cast %get3A_99 : vector<16xi32> to vector<16xi32>
    %shift_left3A_101 = arith.constant 7 : i32
    %shift_left3A_102 = vector.broadcast %shift_left3A_101 : i32 to vector<16xi32>
    %shift_left3A_103 = arith.shli %get3A_100, %shift_left3A_102 : vector<16xi32>
    %add3A_104 = arith.constant 0 : i32
    %add3A_105 = vector.broadcast %add3A_104 : i32 to vector<16xi32>
    %add3A_106 = arith.addi %shift_left3A_103, %add3A_105 : vector<16xi32>
    %swap3A_107 = arith.constant 80 : index
    %swap3A_108 = tpu.vector_load %arg6[%swap3A_107] {strides = array<i32>} : memref<1024xi32, #tpu.memory_space<vmem>>, vector<16xi32>,
    %swap3A_109 = vector.shape_cast %swap3A_108 : vector<16xi32> to vector<16xi32>
    %swap3A_110 = vector.shape_cast %add3A_106 : vector<16xi32> to vector<16xi32>
    tpu.vector_store %arg6[%swap3A_107], %swap3A_110 {strides = array<i32>} : memref<1024xi32, #tpu.memory_space<vmem>>, vector<16xi32>,
    %add3A_111 = arith.constant 1 : i32
    %add3A_112 = vector.broadcast %add3A_111 : i32 to vector<16xi32>
    %add3A_113 = arith.addi %shift_left3A_103, %add3A_112 : vector<16xi32>
    %swap3A_114 = arith.constant 592 : index
    %swap3A_115 = tpu.vector_load %arg6[%swap3A_114] {strides = array<i32>} : memref<1024xi32, #tpu.memory_space<vmem>>, vector<16xi32>,
    %swap3A_116 = vector.shape_cast %swap3A_115 : vector<16xi32> to vector<16xi32>
    %swap3A_117 = vector.shape_cast %add3A_113 : vector<16xi32> to vector<16xi32>
    tpu.vector_store %arg6[%swap3A_114], %swap3A_117 {strides = array<i32>} : memref<1024xi32, #tpu.memory_space<vmem>>, vector<16xi32>,
    %get3A_118 = arith.constant 96 : index
    %get3A_119 = tpu.vector_load %arg5[%get3A_118] {strides = array<i32>} : memref<512xi32, #tpu.memory_space<vmem>>, vector<16xi32>,
    %get3A_120 = vector.shape_cast %get3A_119 : vector<16xi32> to vector<16xi32>
    %shift_left3A_121 = arith.constant 7 : i32
    %shift_left3A_122 = vector.broadcast %shift_left3A_121 : i32 to vector<16xi32>
    %shift_left3A_123 = arith.shli %get3A_120, %shift_left3A_122 : vector<16xi32>
    %add3A_124 = arith.constant 0 : i32
    %add3A_125 = vector.broadcast %add3A_124 : i32 to vector<16xi32>
    %add3A_126 = arith.addi %shift_left3A_123, %add3A_125 : vector<16xi32>
    %swap3A_127 = arith.constant 96 : index
    %swap3A_128 = tpu.vector_load %arg6[%swap3A_127] {strides = array<i32>} : memref<1024xi32, #tpu.memory_space<vmem>>, vector<16xi32>,
    %swap3A_129 = vector.shape_cast %swap3A_128 : vector<16xi32> to vector<16xi32>
    %swap3A_130 = vector.shape_cast %add3A_126 : vector<16xi32> to vector<16xi32>
    tpu.vector_store %arg6[%swap3A_127], %swap3A_130 {strides = array<i32>} : memref<1024xi32, #tpu.memory_space<vmem>>, vector<16xi32>,
    %add3A_131 = arith.constant 1 : i32
    %add3A_132 = vector.broadcast %add3A_131 : i32 to vector<16xi32>
    %add3A_133 = arith.addi %shift_left3A_123, %add3A_132 : vector<16xi32>
    %swap3A_134 = arith.constant 608 : index
    %swap3A_135 = tpu.vector_load %arg6[%swap3A_134] {strides = array<i32>} : memref<1024xi32, #tpu.memory_space<vmem>>, vector<16xi32>,
    %swap3A_136 = vector.shape_cast %swap3A_135 : vector<16xi32> to vector<16xi32>
    %swap3A_137 = vector.shape_cast %add3A_133 : vector<16xi32> to vector<16xi32>
    tpu.vector_store %arg6[%swap3A_134], %swap3A_137 {strides = array<i32>} : memref<1024xi32, #tpu.memory_space<vmem>>, vector<16xi32>,
    %get3A_138 = arith.constant 112 : index
    %get3A_139 = tpu.vector_load %arg5[%get3A_138] {strides = array<i32>} : memref<512xi32, #tpu.memory_space<vmem>>, vector<16xi32>,
    %get3A_140 = vector.shape_cast %get3A_139 : vector<16xi32> to vector<16xi32>
    %shift_left3A_141 = arith.constant 7 : i32
    %shift_left3A_142 = vector.broadcast %shift_left3A_141 : i32 to vector<16xi32>
    %shift_left3A_143 = arith.shli %get3A_140, %shift_left3A_142 : vector<16xi32>
    %add3A_144 = arith.constant 0 : i32
    %add3A_145 = vector.broadcast %add3A_144 : i32 to vector<16xi32>
    %add3A_146 = arith.addi %shift_left3A_143, %add3A_145 : vector<16xi32>
    %swap3A_147 = arith.constant 112 : index
    %swap3A_148 = tpu.vector_load %arg6[%swap3A_147] {strides = array<i32>} : memref<1024xi32, #tpu.memory_space<vmem>>, vector<16xi32>,
    %swap3A_149 = vector.shape_cast %swap3A_148 : vector<16xi32> to vector<16xi32>
    %swap3A_150 = vector.shape_cast %add3A_146 : vector<16xi32> to vector<16xi32>
    tpu.vector_store %arg6[%swap3A_147], %swap3A_150 {strides = array<i32>} : memref<1024xi32, #tpu.memory_space<vmem>>, vector<16xi32>,
    %add3A_151 = arith.constant 1 : i32
    %add3A_152 = vector.broadcast %add3A_151 : i32 to vector<16xi32>
    %add3A_153 = arith.addi %shift_left3A_143, %add3A_152 : vector<16xi32>
    %swap3A_154 = arith.constant 624 : index
    %swap3A_155 = tpu.vector_load %arg6[%swap3A_154] {strides = array<i32>} : memref<1024xi32, #tpu.memory_space<vmem>>, vector<16xi32>,
    %swap3A_156 = vector.shape_cast %swap3A_155 : vector<16xi32> to vector<16xi32>
    %swap3A_157 = vector.shape_cast %add3A_153 : vector<16xi32> to vector<16xi32>
    tpu.vector_store %arg6[%swap3A_154], %swap3A_157 {strides = array<i32>} : memref<1024xi32, #tpu.memory_space<vmem>>, vector<16xi32>,
    %get3A_158 = arith.constant 128 : index
    %get3A_159 = tpu.vector_load %arg5[%get3A_158] {strides = array<i32>} : memref<512xi32, #tpu.memory_space<vmem>>, vector<16xi32>,
    %get3A_160 = vector.shape_cast %get3A_159 : vector<16xi32> to vector<16xi32>
    %shift_left3A_161 = arith.constant 7 : i32
    %shift_left3A_162 = vector.broadcast %shift_left3A_161 : i32 to vector<16xi32>
    %shift_left3A_163 = arith.shli %get3A_160, %shift_left3A_162 : vector<16xi32>
    %add3A_164 = arith.constant 0 : i32
    %add3A_165 = vector.broadcast %add3A_164 : i32 to vector<16xi32>
    %add3A_166 = arith.addi %shift_left3A_163, %add3A_165 : vector<16xi32>
    %swap3A_167 = arith.constant 128 : index
    %swap3A_168 = tpu.vector_load %arg6[%swap3A_167] {strides = array<i32>} : memref<1024xi32, #tpu.memory_space<vmem>>, vector<16xi32>,
    %swap3A_169 = vector.shape_cast %swap3A_168 : vector<16xi32> to vector<16xi32>
    %swap3A_170 = vector.shape_cast %add3A_166 : vector<16xi32> to vector<16xi32>
    tpu.vector_store %arg6[%swap3A_167], %swap3A_170 {strides = array<i32>} : memref<1024xi32, #tpu.memory_space<vmem>>, vector<16xi32>,
    %add3A_171 = arith.constant 1 : i32
    %add3A_172 = vector.broadcast %add3A_171 : i32 to vector<16xi32>
    %add3A_173 = arith.addi %shift_left3A_163, %add3A_172 : vector<16xi32>
    %swap3A_174 = arith.constant 640 : index
    %swap3A_175 = tpu.vector_load %arg6[%swap3A_174] {strides = array<i32>} : memref<1024xi32, #tpu.memory_space<vmem>>, vector<16xi32>,
    %swap3A_176 = vector.shape_cast %swap3A_175 : vector<16xi32> to vector<16xi32>
    %swap3A_177 = vector.shape_cast %add3A_173 : vector<16xi32> to vector<16xi32>
    tpu.vector_store %arg6[%swap3A_174], %swap3A_177 {strides = array<i32>} : memref<1024xi32, #tpu.memory_space<vmem>>, vector<16xi32>,
    %get3A_178 = arith.constant 144 : index
    %get3A_179 = tpu.vector_load %arg5[%get3A_178] {strides = array<i32>} : memref<512xi32, #tpu.memory_space<vmem>>, vector<16xi32>,
    %get3A_180 = vector.shape_cast %get3A_179 : vector<16xi32> to vector<16xi32>
    %shift_left3A_181 = arith.constant 7 : i32
    %shift_left3A_182 = vector.broadcast %shift_left3A_181 : i32 to vector<16xi32>
    %shift_left3A_183 = arith.shli %get3A_180, %shift_left3A_182 : vector<16xi32>
    %add3A_184 = arith.constant 0 : i32
    %add3A_185 = vector.broadcast %add3A_184 : i32 to vector<16xi32>
    %add3A_186 = arith.addi %shift_left3A_183, %add3A_185 : vector<16xi32>
    %swap3A_187 = arith.constant 144 : index
    %swap3A_188 = tpu.vector_load %arg6[%swap3A_187] {strides = array<i32>} : memref<1024xi32, #tpu.memory_space<vmem>>, vector<16xi32>,
    %swap3A_189 = vector.shape_cast %swap3A_188 : vector<16xi32> to vector<16xi32>
    %swap3A_190 = vector.shape_cast %add3A_186 : vector<16xi32> to vector<16xi32>
    tpu.vector_store %arg6[%swap3A_187], %swap3A_190 {strides = array<i32>} : memref<1024xi32, #tpu.memory_space<vmem>>, vector<16xi32>,
    %add3A_191 = arith.constant 1 : i32
    %add3A_192 = vector.broadcast %add3A_191 : i32 to vector<16xi32>
    %add3A_193 = arith.addi %shift_left3A_183, %add3A_192 : vector<16xi32>
    %swap3A_194 = arith.constant 656 : index
    %swap3A_195 = tpu.vector_load %arg6[%swap3A_194] {strides = array<i32>} : memref<1024xi32, #tpu.memory_space<vmem>>, vector<16xi32>,
    %swap3A_196 = vector.shape_cast %swap3A_195 : vector<16xi32> to vector<16xi32>
    %swap3A_197 = vector.shape_cast %add3A_193 : vector<16xi32> to vector<16xi32>
    tpu.vector_store %arg6[%swap3A_194], %swap3A_197 {strides = array<i32>} : memref<1024xi32, #tpu.memory_space<vmem>>, vector<16xi32>,
    %get3A_198 = arith.constant 160 : index
    %get3A_199 = tpu.vector_load %arg5[%get3A_198] {strides = array<i32>} : memref<512xi32, #tpu.memory_space<vmem>>, vector<16xi32>,
    %get3A_200 = vector.shape_cast %get3A_199 : vector<16xi32> to vector<16xi32>
    %shift_left3A_201 = arith.constant 7 : i32
    %shift_left3A_202 = vector.broadcast %shift_left3A_201 : i32 to vector<16xi32>
    %shift_left3A_203 = arith.shli %get3A_200, %shift_left3A_202 : vector<16xi32>
    %add3A_204 = arith.constant 0 : i32
    %add3A_205 = vector.broadcast %add3A_204 : i32 to vector<16xi32>
    %add3A_206 = arith.addi %shift_left3A_203, %add3A_205 : vector<16xi32>
    %swap3A_207 = arith.constant 160 : index
    %swap3A_208 = tpu.vector_load %arg6[%swap3A_207] {strides = array<i32>} : memref<1024xi32, #tpu.memory_space<vmem>>, vector<16xi32>,
    %swap3A_209 = vector.shape_cast %swap3A_208 : vector<16xi32> to vector<16xi32>
    %swap3A_210 = vector.shape_cast %add3A_206 : vector<16xi32> to vector<16xi32>
    tpu.vector_store %arg6[%swap3A_207], %swap3A_210 {strides = array<i32>} : memref<1024xi32, #tpu.memory_space<vmem>>, vector<16xi32>,
    %add3A_211 = arith.constant 1 : i32
    %add3A_212 = vector.broadcast %add3A_211 : i32 to vector<16xi32>
    %add3A_213 = arith.addi %shift_left3A_203, %add3A_212 : vector<16xi32>
    %swap3A_214 = arith.constant 672 : index
    %swap3A_215 = tpu.vector_load %arg6[%swap3A_214] {strides = array<i32>} : memref<1024xi32, #tpu.memory_space<vmem>>, vector<16xi32>,
    %swap3A_216 = vector.shape_cast %swap3A_215 : vector<16xi32> to vector<16xi32>
    %swap3A_217 = vector.shape_cast %add3A_213 : vector<16xi32> to vector<16xi32>
    tpu.vector_store %arg6[%swap3A_214], %swap3A_217 {strides = array<i32>} : memref<1024xi32, #tpu.memory_space<vmem>>, vector<16xi32>,
    %get3A_218 = arith.constant 176 : index
    %get3A_219 = tpu.vector_load %arg5[%get3A_218] {strides = array<i32>} : memref<512xi32, #tpu.memory_space<vmem>>, vector<16xi32>,
    %get3A_220 = vector.shape_cast %get3A_219 : vector<16xi32> to vector<16xi32>
    %shift_left3A_221 = arith.constant 7 : i32
    %shift_left3A_222 = vector.broadcast %shift_left3A_221 : i32 to vector<16xi32>
    %shift_left3A_223 = arith.shli %get3A_220, %shift_left3A_222 : vector<16xi32>
    %add3A_224 = arith.constant 0 : i32
    %add3A_225 = vector.broadcast %add3A_224 : i32 to vector<16xi32>
    %add3A_226 = arith.addi %shift_left3A_223, %add3A_225 : vector<16xi32>
    %swap3A_227 = arith.constant 176 : index
    %swap3A_228 = tpu.vector_load %arg6[%swap3A_227] {strides = array<i32>} : memref<1024xi32, #tpu.memory_space<vmem>>, vector<16xi32>,
    %swap3A_229 = vector.shape_cast %swap3A_228 : vector<16xi32> to vector<16xi32>
    %swap3A_230 = vector.shape_cast %add3A_226 : vector<16xi32> to vector<16xi32>
    tpu.vector_store %arg6[%swap3A_227], %swap3A_230 {strides = array<i32>} : memref<1024xi32, #tpu.memory_space<vmem>>, vector<16xi32>,
    %add3A_231 = arith.constant 1 : i32
    %add3A_232 = vector.broadcast %add3A_231 : i32 to vector<16xi32>
    %add3A_233 = arith.addi %shift_left3A_223, %add3A_232 : vector<16xi32>
    %swap3A_234 = arith.constant 688 : index
    %swap3A_235 = tpu.vector_load %arg6[%swap3A_234] {strides = array<i32>} : memref<1024xi32, #tpu.memory_space<vmem>>, vector<16xi32>,
    %swap3A_236 = vector.shape_cast %swap3A_235 : vector<16xi32> to vector<16xi32>
    %swap3A_237 = vector.shape_cast %add3A_233 : vector<16xi32> to vector<16xi32>
    tpu.vector_store %arg6[%swap3A_234], %swap3A_237 {strides = array<i32>} : memref<1024xi32, #tpu.memory_space<vmem>>, vector<16xi32>,
    %get3A_238 = arith.constant 192 : index
    %get3A_239 = tpu.vector_load %arg5[%get3A_238] {strides = array<i32>} : memref<512xi32, #tpu.memory_space<vmem>>, vector<16xi32>,
    %get3A_240 = vector.shape_cast %get3A_239 : vector<16xi32> to vector<16xi32>
    %shift_left3A_241 = arith.constant 7 : i32
    %shift_left3A_242 = vector.broadcast %shift_left3A_241 : i32 to vector<16xi32>
    %shift_left3A_243 = arith.shli %get3A_240, %shift_left3A_242 : vector<16xi32>
    %add3A_244 = arith.constant 0 : i32
    %add3A_245 = vector.broadcast %add3A_244 : i32 to vector<16xi32>
    %add3A_246 = arith.addi %shift_left3A_243, %add3A_245 : vector<16xi32>
    %swap3A_247 = arith.constant 192 : index
    %swap3A_248 = tpu.vector_load %arg6[%swap3A_247] {strides = array<i32>} : memref<1024xi32, #tpu.memory_space<vmem>>, vector<16xi32>,
    %swap3A_249 = vector.shape_cast %swap3A_248 : vector<16xi32> to vector<16xi32>
    %swap3A_250 = vector.shape_cast %add3A_246 : vector<16xi32> to vector<16xi32>
    tpu.vector_store %arg6[%swap3A_247], %swap3A_250 {strides = array<i32>} : memref<1024xi32, #tpu.memory_space<vmem>>, vector<16xi32>,
    %add3A_251 = arith.constant 1 : i32
    %add3A_252 = vector.broadcast %add3A_251 : i32 to vector<16xi32>
    %add3A_253 = arith.addi %shift_left3A_243, %add3A_252 : vector<16xi32>
    %swap3A_254 = arith.constant 704 : index
    %swap3A_255 = tpu.vector_load %arg6[%swap3A_254] {strides = array<i32>} : memref<1024xi32, #tpu.memory_space<vmem>>, vector<16xi32>,
    %swap3A_256 = vector.shape_cast %swap3A_255 : vector<16xi32> to vector<16xi32>
    %swap3A_257 = vector.shape_cast %add3A_253 : vector<16xi32> to vector<16xi32>
    tpu.vector_store %arg6[%swap3A_254], %swap3A_257 {strides = array<i32>} : memref<1024xi32, #tpu.memory_space<vmem>>, vector<16xi32>,
    %get3A_258 = arith.constant 208 : index
    %get3A_259 = tpu.vector_load %arg5[%get3A_258] {strides = array<i32>} : memref<512xi32, #tpu.memory_space<vmem>>, vector<16xi32>,
    %get3A_260 = vector.shape_cast %get3A_259 : vector<16xi32> to vector<16xi32>
    %shift_left3A_261 = arith.constant 7 : i32
    %shift_left3A_262 = vector.broadcast %shift_left3A_261 : i32 to vector<16xi32>
    %shift_left3A_263 = arith.shli %get3A_260, %shift_left3A_262 : vector<16xi32>
    %add3A_264 = arith.constant 0 : i32
    %add3A_265 = vector.broadcast %add3A_264 : i32 to vector<16xi32>
    %add3A_266 = arith.addi %shift_left3A_263, %add3A_265 : vector<16xi32>
    %swap3A_267 = arith.constant 208 : index
    %swap3A_268 = tpu.vector_load %arg6[%swap3A_267] {strides = array<i32>} : memref<1024xi32, #tpu.memory_space<vmem>>, vector<16xi32>,
    %swap3A_269 = vector.shape_cast %swap3A_268 : vector<16xi32> to vector<16xi32>
    %swap3A_270 = vector.shape_cast %add3A_266 : vector<16xi32> to vector<16xi32>
    tpu.vector_store %arg6[%swap3A_267], %swap3A_270 {strides = array<i32>} : memref<1024xi32, #tpu.memory_space<vmem>>, vector<16xi32>,
    %add3A_271 = arith.constant 1 : i32
    %add3A_272 = vector.broadcast %add3A_271 : i32 to vector<16xi32>
    %add3A_273 = arith.addi %shift_left3A_263, %add3A_272 : vector<16xi32>
    %swap3A_274 = arith.constant 720 : index
    %swap3A_275 = tpu.vector_load %arg6[%swap3A_274] {strides = array<i32>} : memref<1024xi32, #tpu.memory_space<vmem>>, vector<16xi32>,
    %swap3A_276 = vector.shape_cast %swap3A_275 : vector<16xi32> to vector<16xi32>
    %swap3A_277 = vector.shape_cast %add3A_273 : vector<16xi32> to vector<16xi32>
    tpu.vector_store %arg6[%swap3A_274], %swap3A_277 {strides = array<i32>} : memref<1024xi32, #tpu.memory_space<vmem>>, vector<16xi32>,
    %get3A_278 = arith.constant 224 : index
    %get3A_279 = tpu.vector_load %arg5[%get3A_278] {strides = array<i32>} : memref<512xi32, #tpu.memory_space<vmem>>, vector<16xi32>,
    %get3A_280 = vector.shape_cast %get3A_279 : vector<16xi32> to vector<16xi32>
    %shift_left3A_281 = arith.constant 7 : i32
    %shift_left3A_282 = vector.broadcast %shift_left3A_281 : i32 to vector<16xi32>
    %shift_left3A_283 = arith.shli %get3A_280, %shift_left3A_282 : vector<16xi32>
    %add3A_284 = arith.constant 0 : i32
    %add3A_285 = vector.broadcast %add3A_284 : i32 to vector<16xi32>
    %add3A_286 = arith.addi %shift_left3A_283, %add3A_285 : vector<16xi32>
    %swap3A_287 = arith.constant 224 : index
    %swap3A_288 = tpu.vector_load %arg6[%swap3A_287] {strides = array<i32>} : memref<1024xi32, #tpu.memory_space<vmem>>, vector<16xi32>,
    %swap3A_289 = vector.shape_cast %swap3A_288 : vector<16xi32> to vector<16xi32>
    %swap3A_290 = vector.shape_cast %add3A_286 : vector<16xi32> to vector<16xi32>
    tpu.vector_store %arg6[%swap3A_287], %swap3A_290 {strides = array<i32>} : memref<1024xi32, #tpu.memory_space<vmem>>, vector<16xi32>,
    %add3A_291 = arith.constant 1 : i32
    %add3A_292 = vector.broadcast %add3A_291 : i32 to vector<16xi32>
    %add3A_293 = arith.addi %shift_left3A_283, %add3A_292 : vector<16xi32>
    %swap3A_294 = arith.constant 736 : index
    %swap3A_295 = tpu.vector_load %arg6[%swap3A_294] {strides = array<i32>} : memref<1024xi32, #tpu.memory_space<vmem>>, vector<16xi32>,
    %swap3A_296 = vector.shape_cast %swap3A_295 : vector<16xi32> to vector<16xi32>
    %swap3A_297 = vector.shape_cast %add3A_293 : vector<16xi32> to vector<16xi32>
    tpu.vector_store %arg6[%swap3A_294], %swap3A_297 {strides = array<i32>} : memref<1024xi32, #tpu.memory_space<vmem>>, vector<16xi32>,
    %get3A_298 = arith.constant 240 : index
    %get3A_299 = tpu.vector_load %arg5[%get3A_298] {strides = array<i32>} : memref<512xi32, #tpu.memory_space<vmem>>, vector<16xi32>,
    %get3A_300 = vector.shape_cast %get3A_299 : vector<16xi32> to vector<16xi32>
    %shift_left3A_301 = arith.constant 7 : i32
    %shift_left3A_302 = vector.broadcast %shift_left3A_301 : i32 to vector<16xi32>
    %shift_left3A_303 = arith.shli %get3A_300, %shift_left3A_302 : vector<16xi32>
    %add3A_304 = arith.constant 0 : i32
    %add3A_305 = vector.broadcast %add3A_304 : i32 to vector<16xi32>
    %add3A_306 = arith.addi %shift_left3A_303, %add3A_305 : vector<16xi32>
    %swap3A_307 = arith.constant 240 : index
    %swap3A_308 = tpu.vector_load %arg6[%swap3A_307] {strides = array<i32>} : memref<1024xi32, #tpu.memory_space<vmem>>, vector<16xi32>,
    %swap3A_309 = vector.shape_cast %swap3A_308 : vector<16xi32> to vector<16xi32>
    %swap3A_310 = vector.shape_cast %add3A_306 : vector<16xi32> to vector<16xi32>
    tpu.vector_store %arg6[%swap3A_307], %swap3A_310 {strides = array<i32>} : memref<1024xi32, #tpu.memory_space<vmem>>, vector<16xi32>,
    %add3A_311 = arith.constant 1 : i32
    %add3A_312 = vector.broadcast %add3A_311 : i32 to vector<16xi32>
    %add3A_313 = arith.addi %shift_left3A_303, %add3A_312 : vector<16xi32>
    %swap3A_314 = arith.constant 752 : index
    %swap3A_315 = tpu.vector_load %arg6[%swap3A_314] {strides = array<i32>} : memref<1024xi32, #tpu.memory_space<vmem>>, vector<16xi32>,
    %swap3A_316 = vector.shape_cast %swap3A_315 : vector<16xi32> to vector<16xi32>
    %swap3A_317 = vector.shape_cast %add3A_313 : vector<16xi32> to vector<16xi32>
    tpu.vector_store %arg6[%swap3A_314], %swap3A_317 {strides = array<i32>} : memref<1024xi32, #tpu.memory_space<vmem>>, vector<16xi32>,
    %get3A_318 = arith.constant 256 : index
    %get3A_319 = tpu.vector_load %arg5[%get3A_318] {strides = array<i32>} : memref<512xi32, #tpu.memory_space<vmem>>, vector<16xi32>,
    %get3A_320 = vector.shape_cast %get3A_319 : vector<16xi32> to vector<16xi32>
    %shift_left3A_321 = arith.constant 7 : i32
    %shift_left3A_322 = vector.broadcast %shift_left3A_321 : i32 to vector<16xi32>
    %shift_left3A_323 = arith.shli %get3A_320, %shift_left3A_322 : vector<16xi32>
    %add3A_324 = arith.constant 0 : i32
    %add3A_325 = vector.broadcast %add3A_324 : i32 to vector<16xi32>
    %add3A_326 = arith.addi %shift_left3A_323, %add3A_325 : vector<16xi32>
    %swap3A_327 = arith.constant 256 : index
    %swap3A_328 = tpu.vector_load %arg6[%swap3A_327] {strides = array<i32>} : memref<1024xi32, #tpu.memory_space<vmem>>, vector<16xi32>,
    %swap3A_329 = vector.shape_cast %swap3A_328 : vector<16xi32> to vector<16xi32>
    %swap3A_330 = vector.shape_cast %add3A_326 : vector<16xi32> to vector<16xi32>
    tpu.vector_store %arg6[%swap3A_327], %swap3A_330 {strides = array<i32>} : memref<1024xi32, #tpu.memory_space<vmem>>, vector<16xi32>,
    %add3A_331 = arith.constant 1 : i32
    %add3A_332 = vector.broadcast %add3A_331 : i32 to vector<16xi32>
    %add3A_333 = arith.addi %shift_left3A_323, %add3A_332 : vector<16xi32>
    %swap3A_334 = arith.constant 768 : index
    %swap3A_335 = tpu.vector_load %arg6[%swap3A_334] {strides = array<i32>} : memref<1024xi32, #tpu.memory_space<vmem>>, vector<16xi32>,
    %swap3A_336 = vector.shape_cast %swap3A_335 : vector<16xi32> to vector<16xi32>
    %swap3A_337 = vector.shape_cast %add3A_333 : vector<16xi32> to vector<16xi32>
    tpu.vector_store %arg6[%swap3A_334], %swap3A_337 {strides = array<i32>} : memref<1024xi32, #tpu.memory_space<vmem>>, vector<16xi32>,
    %get3A_338 = arith.constant 272 : index
    %get3A_339 = tpu.vector_load %arg5[%get3A_338] {strides = array<i32>} : memref<512xi32, #tpu.memory_space<vmem>>, vector<16xi32>,
    %get3A_340 = vector.shape_cast %get3A_339 : vector<16xi32> to vector<16xi32>
    %shift_left3A_341 = arith.constant 7 : i32
    %shift_left3A_342 = vector.broadcast %shift_left3A_341 : i32 to vector<16xi32>
    %shift_left3A_343 = arith.shli %get3A_340, %shift_left3A_342 : vector<16xi32>
    %add3A_344 = arith.constant 0 : i32
    %add3A_345 = vector.broadcast %add3A_344 : i32 to vector<16xi32>
    %add3A_346 = arith.addi %shift_left3A_343, %add3A_345 : vector<16xi32>
    %swap3A_347 = arith.constant 272 : index
    %swap3A_348 = tpu.vector_load %arg6[%swap3A_347] {strides = array<i32>} : memref<1024xi32, #tpu.memory_space<vmem>>, vector<16xi32>,
    %swap3A_349 = vector.shape_cast %swap3A_348 : vector<16xi32> to vector<16xi32>
    %swap3A_350 = vector.shape_cast %add3A_346 : vector<16xi32> to vector<16xi32>
    tpu.vector_store %arg6[%swap3A_347], %swap3A_350 {strides = array<i32>} : memref<1024xi32, #tpu.memory_space<vmem>>, vector<16xi32>,
    %add3A_351 = arith.constant 1 : i32
    %add3A_352 = vector.broadcast %add3A_351 : i32 to vector<16xi32>
    %add3A_353 = arith.addi %shift_left3A_343, %add3A_352 : vector<16xi32>
    %swap3A_354 = arith.constant 784 : index
    %swap3A_355 = tpu.vector_load %arg6[%swap3A_354] {strides = array<i32>} : memref<1024xi32, #tpu.memory_space<vmem>>, vector<16xi32>,
    %swap3A_356 = vector.shape_cast %swap3A_355 : vector<16xi32> to vector<16xi32>
    %swap3A_357 = vector.shape_cast %add3A_353 : vector<16xi32> to vector<16xi32>
    tpu.vector_store %arg6[%swap3A_354], %swap3A_357 {strides = array<i32>} : memref<1024xi32, #tpu.memory_space<vmem>>, vector<16xi32>,
    %get3A_358 = arith.constant 288 : index
    %get3A_359 = tpu.vector_load %arg5[%get3A_358] {strides = array<i32>} : memref<512xi32, #tpu.memory_space<vmem>>, vector<16xi32>,
    %get3A_360 = vector.shape_cast %get3A_359 : vector<16xi32> to vector<16xi32>
    %shift_left3A_361 = arith.constant 7 : i32
    %shift_left3A_362 = vector.broadcast %shift_left3A_361 : i32 to vector<16xi32>
    %shift_left3A_363 = arith.shli %get3A_360, %shift_left3A_362 : vector<16xi32>
    %add3A_364 = arith.constant 0 : i32
    %add3A_365 = vector.broadcast %add3A_364 : i32 to vector<16xi32>
    %add3A_366 = arith.addi %shift_left3A_363, %add3A_365 : vector<16xi32>
    %swap3A_367 = arith.constant 288 : index
    %swap3A_368 = tpu.vector_load %arg6[%swap3A_367] {strides = array<i32>} : memref<1024xi32, #tpu.memory_space<vmem>>, vector<16xi32>,
    %swap3A_369 = vector.shape_cast %swap3A_368 : vector<16xi32> to vector<16xi32>
    %swap3A_370 = vector.shape_cast %add3A_366 : vector<16xi32> to vector<16xi32>
    tpu.vector_store %arg6[%swap3A_367], %swap3A_370 {strides = array<i32>} : memref<1024xi32, #tpu.memory_space<vmem>>, vector<16xi32>,
    %add3A_371 = arith.constant 1 : i32
    %add3A_372 = vector.broadcast %add3A_371 : i32 to vector<16xi32>
    %add3A_373 = arith.addi %shift_left3A_363, %add3A_372 : vector<16xi32>
    %swap3A_374 = arith.constant 800 : index
    %swap3A_375 = tpu.vector_load %arg6[%swap3A_374] {strides = array<i32>} : memref<1024xi32, #tpu.memory_space<vmem>>, vector<16xi32>,
    %swap3A_376 = vector.shape_cast %swap3A_375 : vector<16xi32> to vector<16xi32>
    %swap3A_377 = vector.shape_cast %add3A_373 : vector<16xi32> to vector<16xi32>
    tpu.vector_store %arg6[%swap3A_374], %swap3A_377 {strides = array<i32>} : memref<1024xi32, #tpu.memory_space<vmem>>, vector<16xi32>,
    %get3A_378 = arith.constant 304 : index
    %get3A_379 = tpu.vector_load %arg5[%get3A_378] {strides = array<i32>} : memref<512xi32, #tpu.memory_space<vmem>>, vector<16xi32>,
    %get3A_380 = vector.shape_cast %get3A_379 : vector<16xi32> to vector<16xi32>
    %shift_left3A_381 = arith.constant 7 : i32
    %shift_left3A_382 = vector.broadcast %shift_left3A_381 : i32 to vector<16xi32>
    %shift_left3A_383 = arith.shli %get3A_380, %shift_left3A_382 : vector<16xi32>
    %add3A_384 = arith.constant 0 : i32
    %add3A_385 = vector.broadcast %add3A_384 : i32 to vector<16xi32>
    %add3A_386 = arith.addi %shift_left3A_383, %add3A_385 : vector<16xi32>
    %swap3A_387 = arith.constant 304 : index
    %swap3A_388 = tpu.vector_load %arg6[%swap3A_387] {strides = array<i32>} : memref<1024xi32, #tpu.memory_space<vmem>>, vector<16xi32>,
    %swap3A_389 = vector.shape_cast %swap3A_388 : vector<16xi32> to vector<16xi32>
    %swap3A_390 = vector.shape_cast %add3A_386 : vector<16xi32> to vector<16xi32>
    tpu.vector_store %arg6[%swap3A_387], %swap3A_390 {strides = array<i32>} : memref<1024xi32, #tpu.memory_space<vmem>>, vector<16xi32>,
    %add3A_391 = arith.constant 1 : i32
    %add3A_392 = vector.broadcast %add3A_391 : i32 to vector<16xi32>
    %add3A_393 = arith.addi %shift_left3A_383, %add3A_392 : vector<16xi32>
    %swap3A_394 = arith.constant 816 : index
    %swap3A_395 = tpu.vector_load %arg6[%swap3A_394] {strides = array<i32>} : memref<1024xi32, #tpu.memory_space<vmem>>, vector<16xi32>,
    %swap3A_396 = vector.shape_cast %swap3A_395 : vector<16xi32> to vector<16xi32>
    %swap3A_397 = vector.shape_cast %add3A_393 : vector<16xi32> to vector<16xi32>
    tpu.vector_store %arg6[%swap3A_394], %swap3A_397 {strides = array<i32>} : memref<1024xi32, #tpu.memory_space<vmem>>, vector<16xi32>,
    %get3A_398 = arith.constant 320 : index
    %get3A_399 = tpu.vector_load %arg5[%get3A_398] {strides = array<i32>} : memref<512xi32, #tpu.memory_space<vmem>>, vector<16xi32>,
    %get3A_400 = vector.shape_cast %get3A_399 : vector<16xi32> to vector<16xi32>
    %shift_left3A_401 = arith.constant 7 : i32
    %shift_left3A_402 = vector.broadcast %shift_left3A_401 : i32 to vector<16xi32>
    %shift_left3A_403 = arith.shli %get3A_400, %shift_left3A_402 : vector<16xi32>
    %add3A_404 = arith.constant 0 : i32
    %add3A_405 = vector.broadcast %add3A_404 : i32 to vector<16xi32>
    %add3A_406 = arith.addi %shift_left3A_403, %add3A_405 : vector<16xi32>
    %swap3A_407 = arith.constant 320 : index
    %swap3A_408 = tpu.vector_load %arg6[%swap3A_407] {strides = array<i32>} : memref<1024xi32, #tpu.memory_space<vmem>>, vector<16xi32>,
    %swap3A_409 = vector.shape_cast %swap3A_408 : vector<16xi32> to vector<16xi32>
    %swap3A_410 = vector.shape_cast %add3A_406 : vector<16xi32> to vector<16xi32>
    tpu.vector_store %arg6[%swap3A_407], %swap3A_410 {strides = array<i32>} : memref<1024xi32, #tpu.memory_space<vmem>>, vector<16xi32>,
    %add3A_411 = arith.constant 1 : i32
    %add3A_412 = vector.broadcast %add3A_411 : i32 to vector<16xi32>
    %add3A_413 = arith.addi %shift_left3A_403, %add3A_412 : vector<16xi32>
    %swap3A_414 = arith.constant 832 : index
    %swap3A_415 = tpu.vector_load %arg6[%swap3A_414] {strides = array<i32>} : memref<1024xi32, #tpu.memory_space<vmem>>, vector<16xi32>,
    %swap3A_416 = vector.shape_cast %swap3A_415 : vector<16xi32> to vector<16xi32>
    %swap3A_417 = vector.shape_cast %add3A_413 : vector<16xi32> to vector<16xi32>
    tpu.vector_store %arg6[%swap3A_414], %swap3A_417 {strides = array<i32>} : memref<1024xi32, #tpu.memory_space<vmem>>, vector<16xi32>,
    %get3A_418 = arith.constant 336 : index
    %get3A_419 = tpu.vector_load %arg5[%get3A_418] {strides = array<i32>} : memref<512xi32, #tpu.memory_space<vmem>>, vector<16xi32>,
    %get3A_420 = vector.shape_cast %get3A_419 : vector<16xi32> to vector<16xi32>
    %shift_left3A_421 = arith.constant 7 : i32
    %shift_left3A_422 = vector.broadcast %shift_left3A_421 : i32 to vector<16xi32>
    %shift_left3A_423 = arith.shli %get3A_420, %shift_left3A_422 : vector<16xi32>
    %add3A_424 = arith.constant 0 : i32
    %add3A_425 = vector.broadcast %add3A_424 : i32 to vector<16xi32>
    %add3A_426 = arith.addi %shift_left3A_423, %add3A_425 : vector<16xi32>
    %swap3A_427 = arith.constant 336 : index
    %swap3A_428 = tpu.vector_load %arg6[%swap3A_427] {strides = array<i32>} : memref<1024xi32, #tpu.memory_space<vmem>>, vector<16xi32>,
    %swap3A_429 = vector.shape_cast %swap3A_428 : vector<16xi32> to vector<16xi32>
    %swap3A_430 = vector.shape_cast %add3A_426 : vector<16xi32> to vector<16xi32>
    tpu.vector_store %arg6[%swap3A_427], %swap3A_430 {strides = array<i32>} : memref<1024xi32, #tpu.memory_space<vmem>>, vector<16xi32>,
    %add3A_431 = arith.constant 1 : i32
    %add3A_432 = vector.broadcast %add3A_431 : i32 to vector<16xi32>
    %add3A_433 = arith.addi %shift_left3A_423, %add3A_432 : vector<16xi32>
    %swap3A_434 = arith.constant 848 : index
    %swap3A_435 = tpu.vector_load %arg6[%swap3A_434] {strides = array<i32>} : memref<1024xi32, #tpu.memory_space<vmem>>, vector<16xi32>,
    %swap3A_436 = vector.shape_cast %swap3A_435 : vector<16xi32> to vector<16xi32>
    %swap3A_437 = vector.shape_cast %add3A_433 : vector<16xi32> to vector<16xi32>
    tpu.vector_store %arg6[%swap3A_434], %swap3A_437 {strides = array<i32>} : memref<1024xi32, #tpu.memory_space<vmem>>, vector<16xi32>,
    %get3A_438 = arith.constant 352 : index
    %get3A_439 = tpu.vector_load %arg5[%get3A_438] {strides = array<i32>} : memref<512xi32, #tpu.memory_space<vmem>>, vector<16xi32>,
    %get3A_440 = vector.shape_cast %get3A_439 : vector<16xi32> to vector<16xi32>
    %shift_left3A_441 = arith.constant 7 : i32
    %shift_left3A_442 = vector.broadcast %shift_left3A_441 : i32 to vector<16xi32>
    %shift_left3A_443 = arith.shli %get3A_440, %shift_left3A_442 : vector<16xi32>
    %add3A_444 = arith.constant 0 : i32
    %add3A_445 = vector.broadcast %add3A_444 : i32 to vector<16xi32>
    %add3A_446 = arith.addi %shift_left3A_443, %add3A_445 : vector<16xi32>
    %swap3A_447 = arith.constant 352 : index
    %swap3A_448 = tpu.vector_load %arg6[%swap3A_447] {strides = array<i32>} : memref<1024xi32, #tpu.memory_space<vmem>>, vector<16xi32>,
    %swap3A_449 = vector.shape_cast %swap3A_448 : vector<16xi32> to vector<16xi32>
    %swap3A_450 = vector.shape_cast %add3A_446 : vector<16xi32> to vector<16xi32>
    tpu.vector_store %arg6[%swap3A_447], %swap3A_450 {strides = array<i32>} : memref<1024xi32, #tpu.memory_space<vmem>>, vector<16xi32>,
    %add3A_451 = arith.constant 1 : i32
    %add3A_452 = vector.broadcast %add3A_451 : i32 to vector<16xi32>
    %add3A_453 = arith.addi %shift_left3A_443, %add3A_452 : vector<16xi32>
    %swap3A_454 = arith.constant 864 : index
    %swap3A_455 = tpu.vector_load %arg6[%swap3A_454] {strides = array<i32>} : memref<1024xi32, #tpu.memory_space<vmem>>, vector<16xi32>,
    %swap3A_456 = vector.shape_cast %swap3A_455 : vector<16xi32> to vector<16xi32>
    %swap3A_457 = vector.shape_cast %add3A_453 : vector<16xi32> to vector<16xi32>
    tpu.vector_store %arg6[%swap3A_454], %swap3A_457 {strides = array<i32>} : memref<1024xi32, #tpu.memory_space<vmem>>, vector<16xi32>,
    %get3A_458 = arith.constant 368 : index
    %get3A_459 = tpu.vector_load %arg5[%get3A_458] {strides = array<i32>} : memref<512xi32, #tpu.memory_space<vmem>>, vector<16xi32>,
    %get3A_460 = vector.shape_cast %get3A_459 : vector<16xi32> to vector<16xi32>
    %shift_left3A_461 = arith.constant 7 : i32
    %shift_left3A_462 = vector.broadcast %shift_left3A_461 : i32 to vector<16xi32>
    %shift_left3A_463 = arith.shli %get3A_460, %shift_left3A_462 : vector<16xi32>
    %add3A_464 = arith.constant 0 : i32
    %add3A_465 = vector.broadcast %add3A_464 : i32 to vector<16xi32>
    %add3A_466 = arith.addi %shift_left3A_463, %add3A_465 : vector<16xi32>
    %swap3A_467 = arith.constant 368 : index
    %swap3A_468 = tpu.vector_load %arg6[%swap3A_467] {strides = array<i32>} : memref<1024xi32, #tpu.memory_space<vmem>>, vector<16xi32>,
    %swap3A_469 = vector.shape_cast %swap3A_468 : vector<16xi32> to vector<16xi32>
    %swap3A_470 = vector.shape_cast %add3A_466 : vector<16xi32> to vector<16xi32>
    tpu.vector_store %arg6[%swap3A_467], %swap3A_470 {strides = array<i32>} : memref<1024xi32, #tpu.memory_space<vmem>>, vector<16xi32>,
    %add3A_471 = arith.constant 1 : i32
    %add3A_472 = vector.broadcast %add3A_471 : i32 to vector<16xi32>
    %add3A_473 = arith.addi %shift_left3A_463, %add3A_472 : vector<16xi32>
    %swap3A_474 = arith.constant 880 : index
    %swap3A_475 = tpu.vector_load %arg6[%swap3A_474] {strides = array<i32>} : memref<1024xi32, #tpu.memory_space<vmem>>, vector<16xi32>,
    %swap3A_476 = vector.shape_cast %swap3A_475 : vector<16xi32> to vector<16xi32>
    %swap3A_477 = vector.shape_cast %add3A_473 : vector<16xi32> to vector<16xi32>
    tpu.vector_store %arg6[%swap3A_474], %swap3A_477 {strides = array<i32>} : memref<1024xi32, #tpu.memory_space<vmem>>, vector<16xi32>,
    %get3A_478 = arith.constant 384 : index
    %get3A_479 = tpu.vector_load %arg5[%get3A_478] {strides = array<i32>} : memref<512xi32, #tpu.memory_space<vmem>>, vector<16xi32>,
    %get3A_480 = vector.shape_cast %get3A_479 : vector<16xi32> to vector<16xi32>
    %shift_left3A_481 = arith.constant 7 : i32
    %shift_left3A_482 = vector.broadcast %shift_left3A_481 : i32 to vector<16xi32>
    %shift_left3A_483 = arith.shli %get3A_480, %shift_left3A_482 : vector<16xi32>
    %add3A_484 = arith.constant 0 : i32
    %add3A_485 = vector.broadcast %add3A_484 : i32 to vector<16xi32>
    %add3A_486 = arith.addi %shift_left3A_483, %add3A_485 : vector<16xi32>
    %swap3A_487 = arith.constant 384 : index
    %swap3A_488 = tpu.vector_load %arg6[%swap3A_487] {strides = array<i32>} : memref<1024xi32, #tpu.memory_space<vmem>>, vector<16xi32>,
    %swap3A_489 = vector.shape_cast %swap3A_488 : vector<16xi32> to vector<16xi32>
    %swap3A_490 = vector.shape_cast %add3A_486 : vector<16xi32> to vector<16xi32>
    tpu.vector_store %arg6[%swap3A_487], %swap3A_490 {strides = array<i32>} : memref<1024xi32, #tpu.memory_space<vmem>>, vector<16xi32>,
    %add3A_491 = arith.constant 1 : i32
    %add3A_492 = vector.broadcast %add3A_491 : i32 to vector<16xi32>
    %add3A_493 = arith.addi %shift_left3A_483, %add3A_492 : vector<16xi32>
    %swap3A_494 = arith.constant 896 : index
    %swap3A_495 = tpu.vector_load %arg6[%swap3A_494] {strides = array<i32>} : memref<1024xi32, #tpu.memory_space<vmem>>, vector<16xi32>,
    %swap3A_496 = vector.shape_cast %swap3A_495 : vector<16xi32> to vector<16xi32>
    %swap3A_497 = vector.shape_cast %add3A_493 : vector<16xi32> to vector<16xi32>
    tpu.vector_store %arg6[%swap3A_494], %swap3A_497 {strides = array<i32>} : memref<1024xi32, #tpu.memory_space<vmem>>, vector<16xi32>,
    %get3A_498 = arith.constant 400 : index
    %get3A_499 = tpu.vector_load %arg5[%get3A_498] {strides = array<i32>} : memref<512xi32, #tpu.memory_space<vmem>>, vector<16xi32>,
    %get3A_500 = vector.shape_cast %get3A_499 : vector<16xi32> to vector<16xi32>
    %shift_left3A_501 = arith.constant 7 : i32
    %shift_left3A_502 = vector.broadcast %shift_left3A_501 : i32 to vector<16xi32>
    %shift_left3A_503 = arith.shli %get3A_500, %shift_left3A_502 : vector<16xi32>
    %add3A_504 = arith.constant 0 : i32
    %add3A_505 = vector.broadcast %add3A_504 : i32 to vector<16xi32>
    %add3A_506 = arith.addi %shift_left3A_503, %add3A_505 : vector<16xi32>
    %swap3A_507 = arith.constant 400 : index
    %swap3A_508 = tpu.vector_load %arg6[%swap3A_507] {strides = array<i32>} : memref<1024xi32, #tpu.memory_space<vmem>>, vector<16xi32>,
    %swap3A_509 = vector.shape_cast %swap3A_508 : vector<16xi32> to vector<16xi32>
    %swap3A_510 = vector.shape_cast %add3A_506 : vector<16xi32> to vector<16xi32>
    tpu.vector_store %arg6[%swap3A_507], %swap3A_510 {strides = array<i32>} : memref<1024xi32, #tpu.memory_space<vmem>>, vector<16xi32>,
    %add3A_511 = arith.constant 1 : i32
    %add3A_512 = vector.broadcast %add3A_511 : i32 to vector<16xi32>
    %add3A_513 = arith.addi %shift_left3A_503, %add3A_512 : vector<16xi32>
    %swap3A_514 = arith.constant 912 : index
    %swap3A_515 = tpu.vector_load %arg6[%swap3A_514] {strides = array<i32>} : memref<1024xi32, #tpu.memory_space<vmem>>, vector<16xi32>,
    %swap3A_516 = vector.shape_cast %swap3A_515 : vector<16xi32> to vector<16xi32>
    %swap3A_517 = vector.shape_cast %add3A_513 : vector<16xi32> to vector<16xi32>
    tpu.vector_store %arg6[%swap3A_514], %swap3A_517 {strides = array<i32>} : memref<1024xi32, #tpu.memory_space<vmem>>, vector<16xi32>,
    %get3A_518 = arith.constant 416 : index
    %get3A_519 = tpu.vector_load %arg5[%get3A_518] {strides = array<i32>} : memref<512xi32, #tpu.memory_space<vmem>>, vector<16xi32>,
    %get3A_520 = vector.shape_cast %get3A_519 : vector<16xi32> to vector<16xi32>
    %shift_left3A_521 = arith.constant 7 : i32
    %shift_left3A_522 = vector.broadcast %shift_left3A_521 : i32 to vector<16xi32>
    %shift_left3A_523 = arith.shli %get3A_520, %shift_left3A_522 : vector<16xi32>
    %add3A_524 = arith.constant 0 : i32
    %add3A_525 = vector.broadcast %add3A_524 : i32 to vector<16xi32>
    %add3A_526 = arith.addi %shift_left3A_523, %add3A_525 : vector<16xi32>
    %swap3A_527 = arith.constant 416 : index
    %swap3A_528 = tpu.vector_load %arg6[%swap3A_527] {strides = array<i32>} : memref<1024xi32, #tpu.memory_space<vmem>>, vector<16xi32>,
    %swap3A_529 = vector.shape_cast %swap3A_528 : vector<16xi32> to vector<16xi32>
    %swap3A_530 = vector.shape_cast %add3A_526 : vector<16xi32> to vector<16xi32>
    tpu.vector_store %arg6[%swap3A_527], %swap3A_530 {strides = array<i32>} : memref<1024xi32, #tpu.memory_space<vmem>>, vector<16xi32>,
    %add3A_531 = arith.constant 1 : i32
    %add3A_532 = vector.broadcast %add3A_531 : i32 to vector<16xi32>
    %add3A_533 = arith.addi %shift_left3A_523, %add3A_532 : vector<16xi32>
    %swap3A_534 = arith.constant 928 : index
    %swap3A_535 = tpu.vector_load %arg6[%swap3A_534] {strides = array<i32>} : memref<1024xi32, #tpu.memory_space<vmem>>, vector<16xi32>,
    %swap3A_536 = vector.shape_cast %swap3A_535 : vector<16xi32> to vector<16xi32>
    %swap3A_537 = vector.shape_cast %add3A_533 : vector<16xi32> to vector<16xi32>
    tpu.vector_store %arg6[%swap3A_534], %swap3A_537 {strides = array<i32>} : memref<1024xi32, #tpu.memory_space<vmem>>, vector<16xi32>,
    %get3A_538 = arith.constant 432 : index
    %get3A_539 = tpu.vector_load %arg5[%get3A_538] {strides = array<i32>} : memref<512xi32, #tpu.memory_space<vmem>>, vector<16xi32>,
    %get3A_540 = vector.shape_cast %get3A_539 : vector<16xi32> to vector<16xi32>
    %shift_left3A_541 = arith.constant 7 : i32
    %shift_left3A_542 = vector.broadcast %shift_left3A_541 : i32 to vector<16xi32>
    %shift_left3A_543 = arith.shli %get3A_540, %shift_left3A_542 : vector<16xi32>
    %add3A_544 = arith.constant 0 : i32
    %add3A_545 = vector.broadcast %add3A_544 : i32 to vector<16xi32>
    %add3A_546 = arith.addi %shift_left3A_543, %add3A_545 : vector<16xi32>
    %swap3A_547 = arith.constant 432 : index
    %swap3A_548 = tpu.vector_load %arg6[%swap3A_547] {strides = array<i32>} : memref<1024xi32, #tpu.memory_space<vmem>>, vector<16xi32>,
    %swap3A_549 = vector.shape_cast %swap3A_548 : vector<16xi32> to vector<16xi32>
    %swap3A_550 = vector.shape_cast %add3A_546 : vector<16xi32> to vector<16xi32>
    tpu.vector_store %arg6[%swap3A_547], %swap3A_550 {strides = array<i32>} : memref<1024xi32, #tpu.memory_space<vmem>>, vector<16xi32>,
    %add3A_551 = arith.constant 1 : i32
    %add3A_552 = vector.broadcast %add3A_551 : i32 to vector<16xi32>
    %add3A_553 = arith.addi %shift_left3A_543, %add3A_552 : vector<16xi32>
    %swap3A_554 = arith.constant 944 : index
    %swap3A_555 = tpu.vector_load %arg6[%swap3A_554] {strides = array<i32>} : memref<1024xi32, #tpu.memory_space<vmem>>, vector<16xi32>,
    %swap3A_556 = vector.shape_cast %swap3A_555 : vector<16xi32> to vector<16xi32>
    %swap3A_557 = vector.shape_cast %add3A_553 : vector<16xi32> to vector<16xi32>
    tpu.vector_store %arg6[%swap3A_554], %swap3A_557 {strides = array<i32>} : memref<1024xi32, #tpu.memory_space<vmem>>, vector<16xi32>,
    %get3A_558 = arith.constant 448 : index
    %get3A_559 = tpu.vector_load %arg5[%get3A_558] {strides = array<i32>} : memref<512xi32, #tpu.memory_space<vmem>>, vector<16xi32>,
    %get3A_560 = vector.shape_cast %get3A_559 : vector<16xi32> to vector<16xi32>
    %shift_left3A_561 = arith.constant 7 : i32
    %shift_left3A_562 = vector.broadcast %shift_left3A_561 : i32 to vector<16xi32>
    %shift_left3A_563 = arith.shli %get3A_560, %shift_left3A_562 : vector<16xi32>
    %add3A_564 = arith.constant 0 : i32
    %add3A_565 = vector.broadcast %add3A_564 : i32 to vector<16xi32>
    %add3A_566 = arith.addi %shift_left3A_563, %add3A_565 : vector<16xi32>
    %swap3A_567 = arith.constant 448 : index
    %swap3A_568 = tpu.vector_load %arg6[%swap3A_567] {strides = array<i32>} : memref<1024xi32, #tpu.memory_space<vmem>>, vector<16xi32>,
    %swap3A_569 = vector.shape_cast %swap3A_568 : vector<16xi32> to vector<16xi32>
    %swap3A_570 = vector.shape_cast %add3A_566 : vector<16xi32> to vector<16xi32>
    tpu.vector_store %arg6[%swap3A_567], %swap3A_570 {strides = array<i32>} : memref<1024xi32, #tpu.memory_space<vmem>>, vector<16xi32>,
    %add3A_571 = arith.constant 1 : i32
    %add3A_572 = vector.broadcast %add3A_571 : i32 to vector<16xi32>
    %add3A_573 = arith.addi %shift_left3A_563, %add3A_572 : vector<16xi32>
    %swap3A_574 = arith.constant 960 : index
    %swap3A_575 = tpu.vector_load %arg6[%swap3A_574] {strides = array<i32>} : memref<1024xi32, #tpu.memory_space<vmem>>, vector<16xi32>,
    %swap3A_576 = vector.shape_cast %swap3A_575 : vector<16xi32> to vector<16xi32>
    %swap3A_577 = vector.shape_cast %add3A_573 : vector<16xi32> to vector<16xi32>
    tpu.vector_store %arg6[%swap3A_574], %swap3A_577 {strides = array<i32>} : memref<1024xi32, #tpu.memory_space<vmem>>, vector<16xi32>,
    %get3A_578 = arith.constant 464 : index
    %get3A_579 = tpu.vector_load %arg5[%get3A_578] {strides = array<i32>} : memref<512xi32, #tpu.memory_space<vmem>>, vector<16xi32>,
    %get3A_580 = vector.shape_cast %get3A_579 : vector<16xi32> to vector<16xi32>
    %shift_left3A_581 = arith.constant 7 : i32
    %shift_left3A_582 = vector.broadcast %shift_left3A_581 : i32 to vector<16xi32>
    %shift_left3A_583 = arith.shli %get3A_580, %shift_left3A_582 : vector<16xi32>
    %add3A_584 = arith.constant 0 : i32
    %add3A_585 = vector.broadcast %add3A_584 : i32 to vector<16xi32>
    %add3A_586 = arith.addi %shift_left3A_583, %add3A_585 : vector<16xi32>
    %swap3A_587 = arith.constant 464 : index
    %swap3A_588 = tpu.vector_load %arg6[%swap3A_587] {strides = array<i32>} : memref<1024xi32, #tpu.memory_space<vmem>>, vector<16xi32>,
    %swap3A_589 = vector.shape_cast %swap3A_588 : vector<16xi32> to vector<16xi32>
    %swap3A_590 = vector.shape_cast %add3A_586 : vector<16xi32> to vector<16xi32>
    tpu.vector_store %arg6[%swap3A_587], %swap3A_590 {strides = array<i32>} : memref<1024xi32, #tpu.memory_space<vmem>>, vector<16xi32>,
    %add3A_591 = arith.constant 1 : i32
    %add3A_592 = vector.broadcast %add3A_591 : i32 to vector<16xi32>
    %add3A_593 = arith.addi %shift_left3A_583, %add3A_592 : vector<16xi32>
    %swap3A_594 = arith.constant 976 : index
    %swap3A_595 = tpu.vector_load %arg6[%swap3A_594] {strides = array<i32>} : memref<1024xi32, #tpu.memory_space<vmem>>, vector<16xi32>,
    %swap3A_596 = vector.shape_cast %swap3A_595 : vector<16xi32> to vector<16xi32>
    %swap3A_597 = vector.shape_cast %add3A_593 : vector<16xi32> to vector<16xi32>
    tpu.vector_store %arg6[%swap3A_594], %swap3A_597 {strides = array<i32>} : memref<1024xi32, #tpu.memory_space<vmem>>, vector<16xi32>,
    %get3A_598 = arith.constant 480 : index
    %get3A_599 = tpu.vector_load %arg5[%get3A_598] {strides = array<i32>} : memref<512xi32, #tpu.memory_space<vmem>>, vector<16xi32>,
    %get3A_600 = vector.shape_cast %get3A_599 : vector<16xi32> to vector<16xi32>
    %shift_left3A_601 = arith.constant 7 : i32
    %shift_left3A_602 = vector.broadcast %shift_left3A_601 : i32 to vector<16xi32>
    %shift_left3A_603 = arith.shli %get3A_600, %shift_left3A_602 : vector<16xi32>
    %add3A_604 = arith.constant 0 : i32
    %add3A_605 = vector.broadcast %add3A_604 : i32 to vector<16xi32>
    %add3A_606 = arith.addi %shift_left3A_603, %add3A_605 : vector<16xi32>
    %swap3A_607 = arith.constant 480 : index
    %swap3A_608 = tpu.vector_load %arg6[%swap3A_607] {strides = array<i32>} : memref<1024xi32, #tpu.memory_space<vmem>>, vector<16xi32>,
    %swap3A_609 = vector.shape_cast %swap3A_608 : vector<16xi32> to vector<16xi32>
    %swap3A_610 = vector.shape_cast %add3A_606 : vector<16xi32> to vector<16xi32>
    tpu.vector_store %arg6[%swap3A_607], %swap3A_610 {strides = array<i32>} : memref<1024xi32, #tpu.memory_space<vmem>>, vector<16xi32>,
    %add3A_611 = arith.constant 1 : i32
    %add3A_612 = vector.broadcast %add3A_611 : i32 to vector<16xi32>
    %add3A_613 = arith.addi %shift_left3A_603, %add3A_612 : vector<16xi32>
    %swap3A_614 = arith.constant 992 : index
    %swap3A_615 = tpu.vector_load %arg6[%swap3A_614] {strides = array<i32>} : memref<1024xi32, #tpu.memory_space<vmem>>, vector<16xi32>,
    %swap3A_616 = vector.shape_cast %swap3A_615 : vector<16xi32> to vector<16xi32>
    %swap3A_617 = vector.shape_cast %add3A_613 : vector<16xi32> to vector<16xi32>
    tpu.vector_store %arg6[%swap3A_614], %swap3A_617 {strides = array<i32>} : memref<1024xi32, #tpu.memory_space<vmem>>, vector<16xi32>,
    %get3A_618 = arith.constant 496 : index
    %get3A_619 = tpu.vector_load %arg5[%get3A_618] {strides = array<i32>} : memref<512xi32, #tpu.memory_space<vmem>>, vector<16xi32>,
    %get3A_620 = vector.shape_cast %get3A_619 : vector<16xi32> to vector<16xi32>
    %shift_left3A_621 = arith.constant 7 : i32
    %shift_left3A_622 = vector.broadcast %shift_left3A_621 : i32 to vector<16xi32>
    %shift_left3A_623 = arith.shli %get3A_620, %shift_left3A_622 : vector<16xi32>
    %add3A_624 = arith.constant 0 : i32
    %add3A_625 = vector.broadcast %add3A_624 : i32 to vector<16xi32>
    %add3A_626 = arith.addi %shift_left3A_623, %add3A_625 : vector<16xi32>
    %swap3A_627 = arith.constant 496 : index
    %swap3A_628 = tpu.vector_load %arg6[%swap3A_627] {strides = array<i32>} : memref<1024xi32, #tpu.memory_space<vmem>>, vector<16xi32>,
    %swap3A_629 = vector.shape_cast %swap3A_628 : vector<16xi32> to vector<16xi32>
    %swap3A_630 = vector.shape_cast %add3A_626 : vector<16xi32> to vector<16xi32>
    tpu.vector_store %arg6[%swap3A_627], %swap3A_630 {strides = array<i32>} : memref<1024xi32, #tpu.memory_space<vmem>>, vector<16xi32>,
    %add3A_631 = arith.constant 1 : i32
    %add3A_632 = vector.broadcast %add3A_631 : i32 to vector<16xi32>
    %add3A_633 = arith.addi %shift_left3A_623, %add3A_632 : vector<16xi32>
    %swap3A_634 = arith.constant 1008 : index
    %swap3A_635 = tpu.vector_load %arg6[%swap3A_634] {strides = array<i32>} : memref<1024xi32, #tpu.memory_space<vmem>>, vector<16xi32>,
    %swap3A_636 = vector.shape_cast %swap3A_635 : vector<16xi32> to vector<16xi32>
    %swap3A_637 = vector.shape_cast %add3A_633 : vector<16xi32> to vector<16xi32>
    tpu.vector_store %arg6[%swap3A_634], %swap3A_637 {strides = array<i32>} : memref<1024xi32, #tpu.memory_space<vmem>>, vector<16xi32>,
    %dma_start3A = arith.constant 0 : i32
    %dma_start3A_638 = tpu.memref_slice %arg7[%dma_start3A] : memref<1024xf32, #tpu.memory_space<vmem>> -> memref<128xf32, #tpu.memory_space<vmem>>
    %dma_start3A_639 = arith.constant 0 : i32
    %dma_start3A_640 = tpu.memref_slice %arg6[%dma_start3A_639] : memref<1024xi32, #tpu.memory_space<vmem>> -> memref<128xi32, #tpu.memory_space<vmem>>
    %dma_start3A_641 = arith.constant 0 : i32
    %dma_start3A_642 = tpu.memref_slice %arg2[%dma_start3A_641] : memref<6400000xf32, #tpu.memory_space<hbm>> -> memref<6400000xf32, #tpu.memory_space<hbm>>
    tpu.enqueue_indirect_dma source(%dma_start3A_642 : memref<6400000xf32, #tpu.memory_space<hbm>>) target(%dma_start3A_638 : memref<128xf32, #tpu.memory_space<vmem>>) offsets(%dma_start3A_640 : memref<128xi32, #tpu.memory_space<vmem>>) semaphore(%arg8 : memref<!tpu.dma_semaphore, #tpu.memory_space<semaphore_mem>>)
    %dma_start3A_643 = arith.constant 128 : i32
    %dma_start3A_644 = tpu.memref_slice %arg7[%dma_start3A_643] : memref<1024xf32, #tpu.memory_space<vmem>> -> memref<128xf32, #tpu.memory_space<vmem>>
    %dma_start3A_645 = arith.constant 128 : i32
    %dma_start3A_646 = tpu.memref_slice %arg6[%dma_start3A_645] : memref<1024xi32, #tpu.memory_space<vmem>> -> memref<128xi32, #tpu.memory_space<vmem>>
    %dma_start3A_647 = arith.constant 0 : i32
    %dma_start3A_648 = tpu.memref_slice %arg2[%dma_start3A_647] : memref<6400000xf32, #tpu.memory_space<hbm>> -> memref<6400000xf32, #tpu.memory_space<hbm>>
    tpu.enqueue_indirect_dma source(%dma_start3A_648 : memref<6400000xf32, #tpu.memory_space<hbm>>) target(%dma_start3A_644 : memref<128xf32, #tpu.memory_space<vmem>>) offsets(%dma_start3A_646 : memref<128xi32, #tpu.memory_space<vmem>>) semaphore(%arg8 : memref<!tpu.dma_semaphore, #tpu.memory_space<semaphore_mem>>)
    %dma_start3A_649 = arith.constant 256 : i32
    %dma_start3A_650 = tpu.memref_slice %arg7[%dma_start3A_649] : memref<1024xf32, #tpu.memory_space<vmem>> -> memref<128xf32, #tpu.memory_space<vmem>>
    %dma_start3A_651 = arith.constant 256 : i32
    %dma_start3A_652 = tpu.memref_slice %arg6[%dma_start3A_651] : memref<1024xi32, #tpu.memory_space<vmem>> -> memref<128xi32, #tpu.memory_space<vmem>>
    %dma_start3A_653 = arith.constant 0 : i32
    %dma_start3A_654 = tpu.memref_slice %arg2[%dma_start3A_653] : memref<6400000xf32, #tpu.memory_space<hbm>> -> memref<6400000xf32, #tpu.memory_space<hbm>>
    tpu.enqueue_indirect_dma source(%dma_start3A_654 : memref<6400000xf32, #tpu.memory_space<hbm>>) target(%dma_start3A_650 : memref<128xf32, #tpu.memory_space<vmem>>) offsets(%dma_start3A_652 : memref<128xi32, #tpu.memory_space<vmem>>) semaphore(%arg8 : memref<!tpu.dma_semaphore, #tpu.memory_space<semaphore_mem>>)
    %dma_start3A_655 = arith.constant 384 : i32
    %dma_start3A_656 = tpu.memref_slice %arg7[%dma_start3A_655] : memref<1024xf32, #tpu.memory_space<vmem>> -> memref<128xf32, #tpu.memory_space<vmem>>
    %dma_start3A_657 = arith.constant 384 : i32
    %dma_start3A_658 = tpu.memref_slice %arg6[%dma_start3A_657] : memref<1024xi32, #tpu.memory_space<vmem>> -> memref<128xi32, #tpu.memory_space<vmem>>
    %dma_start3A_659 = arith.constant 0 : i32
    %dma_start3A_660 = tpu.memref_slice %arg2[%dma_start3A_659] : memref<6400000xf32, #tpu.memory_space<hbm>> -> memref<6400000xf32, #tpu.memory_space<hbm>>
    tpu.enqueue_indirect_dma source(%dma_start3A_660 : memref<6400000xf32, #tpu.memory_space<hbm>>) target(%dma_start3A_656 : memref<128xf32, #tpu.memory_space<vmem>>) offsets(%dma_start3A_658 : memref<128xi32, #tpu.memory_space<vmem>>) semaphore(%arg8 : memref<!tpu.dma_semaphore, #tpu.memory_space<semaphore_mem>>)
    %dma_start3A_661 = arith.constant 512 : i32
    %dma_start3A_662 = tpu.memref_slice %arg7[%dma_start3A_661] : memref<1024xf32, #tpu.memory_space<vmem>> -> memref<128xf32, #tpu.memory_space<vmem>>
    %dma_start3A_663 = arith.constant 512 : i32
    %dma_start3A_664 = tpu.memref_slice %arg6[%dma_start3A_663] : memref<1024xi32, #tpu.memory_space<vmem>> -> memref<128xi32, #tpu.memory_space<vmem>>
    %dma_start3A_665 = arith.constant 0 : i32
    %dma_start3A_666 = tpu.memref_slice %arg2[%dma_start3A_665] : memref<6400000xf32, #tpu.memory_space<hbm>> -> memref<6400000xf32, #tpu.memory_space<hbm>>
    tpu.enqueue_indirect_dma source(%dma_start3A_666 : memref<6400000xf32, #tpu.memory_space<hbm>>) target(%dma_start3A_662 : memref<128xf32, #tpu.memory_space<vmem>>) offsets(%dma_start3A_664 : memref<128xi32, #tpu.memory_space<vmem>>) semaphore(%arg8 : memref<!tpu.dma_semaphore, #tpu.memory_space<semaphore_mem>>)
    %dma_start3A_667 = arith.constant 640 : i32
    %dma_start3A_668 = tpu.memref_slice %arg7[%dma_start3A_667] : memref<1024xf32, #tpu.memory_space<vmem>> -> memref<128xf32, #tpu.memory_space<vmem>>
    %dma_start3A_669 = arith.constant 640 : i32
    %dma_start3A_670 = tpu.memref_slice %arg6[%dma_start3A_669] : memref<1024xi32, #tpu.memory_space<vmem>> -> memref<128xi32, #tpu.memory_space<vmem>>
    %dma_start3A_671 = arith.constant 0 : i32
    %dma_start3A_672 = tpu.memref_slice %arg2[%dma_start3A_671] : memref<6400000xf32, #tpu.memory_space<hbm>> -> memref<6400000xf32, #tpu.memory_space<hbm>>
    tpu.enqueue_indirect_dma source(%dma_start3A_672 : memref<6400000xf32, #tpu.memory_space<hbm>>) target(%dma_start3A_668 : memref<128xf32, #tpu.memory_space<vmem>>) offsets(%dma_start3A_670 : memref<128xi32, #tpu.memory_space<vmem>>) semaphore(%arg8 : memref<!tpu.dma_semaphore, #tpu.memory_space<semaphore_mem>>)
    %dma_start3A_673 = arith.constant 768 : i32
    %dma_start3A_674 = tpu.memref_slice %arg7[%dma_start3A_673] : memref<1024xf32, #tpu.memory_space<vmem>> -> memref<128xf32, #tpu.memory_space<vmem>>
    %dma_start3A_675 = arith.constant 768 : i32
    %dma_start3A_676 = tpu.memref_slice %arg6[%dma_start3A_675] : memref<1024xi32, #tpu.memory_space<vmem>> -> memref<128xi32, #tpu.memory_space<vmem>>
    %dma_start3A_677 = arith.constant 0 : i32
    %dma_start3A_678 = tpu.memref_slice %arg2[%dma_start3A_677] : memref<6400000xf32, #tpu.memory_space<hbm>> -> memref<6400000xf32, #tpu.memory_space<hbm>>
    tpu.enqueue_indirect_dma source(%dma_start3A_678 : memref<6400000xf32, #tpu.memory_space<hbm>>) target(%dma_start3A_674 : memref<128xf32, #tpu.memory_space<vmem>>) offsets(%dma_start3A_676 : memref<128xi32, #tpu.memory_space<vmem>>) semaphore(%arg8 : memref<!tpu.dma_semaphore, #tpu.memory_space<semaphore_mem>>)
    %dma_start3A_679 = arith.constant 896 : i32
    %dma_start3A_680 = tpu.memref_slice %arg7[%dma_start3A_679] : memref<1024xf32, #tpu.memory_space<vmem>> -> memref<128xf32, #tpu.memory_space<vmem>>
    %dma_start3A_681 = arith.constant 896 : i32
    %dma_start3A_682 = tpu.memref_slice %arg6[%dma_start3A_681] : memref<1024xi32, #tpu.memory_space<vmem>> -> memref<128xi32, #tpu.memory_space<vmem>>
    %dma_start3A_683 = arith.constant 0 : i32
    %dma_start3A_684 = tpu.memref_slice %arg2[%dma_start3A_683] : memref<6400000xf32, #tpu.memory_space<hbm>> -> memref<6400000xf32, #tpu.memory_space<hbm>>
    tpu.enqueue_indirect_dma source(%dma_start3A_684 : memref<6400000xf32, #tpu.memory_space<hbm>>) target(%dma_start3A_680 : memref<128xf32, #tpu.memory_space<vmem>>) offsets(%dma_start3A_682 : memref<128xi32, #tpu.memory_space<vmem>>) semaphore(%arg8 : memref<!tpu.dma_semaphore, #tpu.memory_space<semaphore_mem>>)
    %dma_wait3A = arith.constant 0 : i32
    %dma_wait3A_685 = tpu.memref_slice %arg7[%dma_wait3A] : memref<1024xf32, #tpu.memory_space<vmem>> -> memref<128xf32, #tpu.memory_space<vmem>>
    %dma_wait3A_686 = arith.constant 0 : i32
    %dma_wait3A_687 = tpu.memref_slice %arg6[%dma_wait3A_686] : memref<1024xi32, #tpu.memory_space<vmem>> -> memref<128xi32, #tpu.memory_space<vmem>>
    %dma_wait3A_688 = arith.constant 0 : i32
    %dma_wait3A_689 = tpu.memref_slice %arg2[%dma_wait3A_688] : memref<6400000xf32, #tpu.memory_space<hbm>> -> memref<6400000xf32, #tpu.memory_space<hbm>>
    tpu.wait_indirect_dma semaphore(%arg8 : memref<!tpu.dma_semaphore, #tpu.memory_space<semaphore_mem>>) src(%dma_wait3A_689 : memref<6400000xf32, #tpu.memory_space<hbm>>) dst(%dma_wait3A_685 : memref<128xf32, #tpu.memory_space<vmem>>)
    %dma_wait3A_690 = arith.constant 128 : i32
    %dma_wait3A_691 = tpu.memref_slice %arg7[%dma_wait3A_690] : memref<1024xf32, #tpu.memory_space<vmem>> -> memref<128xf32, #tpu.memory_space<vmem>>
    %dma_wait3A_692 = arith.constant 128 : i32
    %dma_wait3A_693 = tpu.memref_slice %arg6[%dma_wait3A_692] : memref<1024xi32, #tpu.memory_space<vmem>> -> memref<128xi32, #tpu.memory_space<vmem>>
    %dma_wait3A_694 = arith.constant 0 : i32
    %dma_wait3A_695 = tpu.memref_slice %arg2[%dma_wait3A_694] : memref<6400000xf32, #tpu.memory_space<hbm>> -> memref<6400000xf32, #tpu.memory_space<hbm>>
    tpu.wait_indirect_dma semaphore(%arg8 : memref<!tpu.dma_semaphore, #tpu.memory_space<semaphore_mem>>) src(%dma_wait3A_695 : memref<6400000xf32, #tpu.memory_space<hbm>>) dst(%dma_wait3A_691 : memref<128xf32, #tpu.memory_space<vmem>>)
    %dma_wait3A_696 = arith.constant 256 : i32
    %dma_wait3A_697 = tpu.memref_slice %arg7[%dma_wait3A_696] : memref<1024xf32, #tpu.memory_space<vmem>> -> memref<128xf32, #tpu.memory_space<vmem>>
    %dma_wait3A_698 = arith.constant 256 : i32
    %dma_wait3A_699 = tpu.memref_slice %arg6[%dma_wait3A_698] : memref<1024xi32, #tpu.memory_space<vmem>> -> memref<128xi32, #tpu.memory_space<vmem>>
    %dma_wait3A_700 = arith.constant 0 : i32
    %dma_wait3A_701 = tpu.memref_slice %arg2[%dma_wait3A_700] : memref<6400000xf32, #tpu.memory_space<hbm>> -> memref<6400000xf32, #tpu.memory_space<hbm>>
    tpu.wait_indirect_dma semaphore(%arg8 : memref<!tpu.dma_semaphore, #tpu.memory_space<semaphore_mem>>) src(%dma_wait3A_701 : memref<6400000xf32, #tpu.memory_space<hbm>>) dst(%dma_wait3A_697 : memref<128xf32, #tpu.memory_space<vmem>>)
    %dma_wait3A_702 = arith.constant 384 : i32
    %dma_wait3A_703 = tpu.memref_slice %arg7[%dma_wait3A_702] : memref<1024xf32, #tpu.memory_space<vmem>> -> memref<128xf32, #tpu.memory_space<vmem>>
    %dma_wait3A_704 = arith.constant 384 : i32
    %dma_wait3A_705 = tpu.memref_slice %arg6[%dma_wait3A_704] : memref<1024xi32, #tpu.memory_space<vmem>> -> memref<128xi32, #tpu.memory_space<vmem>>
    %dma_wait3A_706 = arith.constant 0 : i32
    %dma_wait3A_707 = tpu.memref_slice %arg2[%dma_wait3A_706] : memref<6400000xf32, #tpu.memory_space<hbm>> -> memref<6400000xf32, #tpu.memory_space<hbm>>
    tpu.wait_indirect_dma semaphore(%arg8 : memref<!tpu.dma_semaphore, #tpu.memory_space<semaphore_mem>>) src(%dma_wait3A_707 : memref<6400000xf32, #tpu.memory_space<hbm>>) dst(%dma_wait3A_703 : memref<128xf32, #tpu.memory_space<vmem>>)
    %dma_wait3A_708 = arith.constant 512 : i32
    %dma_wait3A_709 = tpu.memref_slice %arg7[%dma_wait3A_708] : memref<1024xf32, #tpu.memory_space<vmem>> -> memref<128xf32, #tpu.memory_space<vmem>>
    %dma_wait3A_710 = arith.constant 512 : i32
    %dma_wait3A_711 = tpu.memref_slice %arg6[%dma_wait3A_710] : memref<1024xi32, #tpu.memory_space<vmem>> -> memref<128xi32, #tpu.memory_space<vmem>>
    %dma_wait3A_712 = arith.constant 0 : i32
    %dma_wait3A_713 = tpu.memref_slice %arg2[%dma_wait3A_712] : memref<6400000xf32, #tpu.memory_space<hbm>> -> memref<6400000xf32, #tpu.memory_space<hbm>>
    tpu.wait_indirect_dma semaphore(%arg8 : memref<!tpu.dma_semaphore, #tpu.memory_space<semaphore_mem>>) src(%dma_wait3A_713 : memref<6400000xf32, #tpu.memory_space<hbm>>) dst(%dma_wait3A_709 : memref<128xf32, #tpu.memory_space<vmem>>)
    %dma_wait3A_714 = arith.constant 640 : i32
    %dma_wait3A_715 = tpu.memref_slice %arg7[%dma_wait3A_714] : memref<1024xf32, #tpu.memory_space<vmem>> -> memref<128xf32, #tpu.memory_space<vmem>>
    %dma_wait3A_716 = arith.constant 640 : i32
    %dma_wait3A_717 = tpu.memref_slice %arg6[%dma_wait3A_716] : memref<1024xi32, #tpu.memory_space<vmem>> -> memref<128xi32, #tpu.memory_space<vmem>>
    %dma_wait3A_718 = arith.constant 0 : i32
    %dma_wait3A_719 = tpu.memref_slice %arg2[%dma_wait3A_718] : memref<6400000xf32, #tpu.memory_space<hbm>> -> memref<6400000xf32, #tpu.memory_space<hbm>>
    tpu.wait_indirect_dma semaphore(%arg8 : memref<!tpu.dma_semaphore, #tpu.memory_space<semaphore_mem>>) src(%dma_wait3A_719 : memref<6400000xf32, #tpu.memory_space<hbm>>) dst(%dma_wait3A_715 : memref<128xf32, #tpu.memory_space<vmem>>)
    %dma_wait3A_720 = arith.constant 768 : i32
    %dma_wait3A_721 = tpu.memref_slice %arg7[%dma_wait3A_720] : memref<1024xf32, #tpu.memory_space<vmem>> -> memref<128xf32, #tpu.memory_space<vmem>>
    %dma_wait3A_722 = arith.constant 768 : i32
    %dma_wait3A_723 = tpu.memref_slice %arg6[%dma_wait3A_722] : memref<1024xi32, #tpu.memory_space<vmem>> -> memref<128xi32, #tpu.memory_space<vmem>>
    %dma_wait3A_724 = arith.constant 0 : i32
    %dma_wait3A_725 = tpu.memref_slice %arg2[%dma_wait3A_724] : memref<6400000xf32, #tpu.memory_space<hbm>> -> memref<6400000xf32, #tpu.memory_space<hbm>>
    tpu.wait_indirect_dma semaphore(%arg8 : memref<!tpu.dma_semaphore, #tpu.memory_space<semaphore_mem>>) src(%dma_wait3A_725 : memref<6400000xf32, #tpu.memory_space<hbm>>) dst(%dma_wait3A_721 : memref<128xf32, #tpu.memory_space<vmem>>)
    %dma_wait3A_726 = arith.constant 896 : i32
    %dma_wait3A_727 = tpu.memref_slice %arg7[%dma_wait3A_726] : memref<1024xf32, #tpu.memory_space<vmem>> -> memref<128xf32, #tpu.memory_space<vmem>>
    %dma_wait3A_728 = arith.constant 896 : i32
    %dma_wait3A_729 = tpu.memref_slice %arg6[%dma_wait3A_728] : memref<1024xi32, #tpu.memory_space<vmem>> -> memref<128xi32, #tpu.memory_space<vmem>>
    %dma_wait3A_730 = arith.constant 0 : i32
    %dma_wait3A_731 = tpu.memref_slice %arg2[%dma_wait3A_730] : memref<6400000xf32, #tpu.memory_space<hbm>> -> memref<6400000xf32, #tpu.memory_space<hbm>>
    tpu.wait_indirect_dma semaphore(%arg8 : memref<!tpu.dma_semaphore, #tpu.memory_space<semaphore_mem>>) src(%dma_wait3A_731 : memref<6400000xf32, #tpu.memory_space<hbm>>) dst(%dma_wait3A_727 : memref<128xf32, #tpu.memory_space<vmem>>)
    "tpu.region"() ({
      %run_scoped3A = tpu.sem_alloc : memref<!tpu.dma_semaphore, #tpu.memory_space<semaphore_mem>>
      %dma_start3A_732 = arith.constant 0 : i32
      %dma_start3A_733 = tpu.memref_slice %arg4[%add3A, %dma_start3A_732] : memref<32x1024xf32, #tpu.memory_space<hbm>> -> memref<1x1024xf32, #tpu.memory_space<hbm>>
      %dma_start3A_734 = tpu.memref_squeeze %dma_start3A_733 : memref<1x1024xf32, #tpu.memory_space<hbm>> -> memref<1024xf32, #tpu.memory_space<hbm>>
      %dma_start3A_735 = arith.constant 0 : i32
      %dma_start3A_736 = tpu.memref_slice %arg4[%add3A, %dma_start3A_735] : memref<32x1024xf32, #tpu.memory_space<hbm>> -> memref<1x1024xf32, #tpu.memory_space<hbm>>
      %dma_start3A_737 = tpu.memref_squeeze %dma_start3A_736 : memref<1x1024xf32, #tpu.memory_space<hbm>> -> memref<1024xf32, #tpu.memory_space<hbm>>
      tpu.enqueue_dma source(%arg7 : memref<1024xf32, #tpu.memory_space<vmem>>) target(%dma_start3A_737 : memref<1024xf32, #tpu.memory_space<hbm>>) target_semaphore(%run_scoped3A : memref<!tpu.dma_semaphore, #tpu.memory_space<semaphore_mem>>)
      %dma_wait3A_738 = arith.constant 0 : i32
      %dma_wait3A_739 = tpu.memref_slice %arg4[%add3A, %dma_wait3A_738] : memref<32x1024xf32, #tpu.memory_space<hbm>> -> memref<1x1024xf32, #tpu.memory_space<hbm>>
      %dma_wait3A_740 = tpu.memref_squeeze %dma_wait3A_739 : memref<1x1024xf32, #tpu.memory_space<hbm>> -> memref<1024xf32, #tpu.memory_space<hbm>>
      %dma_wait3A_741 = arith.constant 0 : i32
      %dma_wait3A_742 = tpu.memref_slice %arg4[%add3A, %dma_wait3A_741] : memref<32x1024xf32, #tpu.memory_space<hbm>> -> memref<1x1024xf32, #tpu.memory_space<hbm>>
      %dma_wait3A_743 = tpu.memref_squeeze %dma_wait3A_742 : memref<1x1024xf32, #tpu.memory_space<hbm>> -> memref<1024xf32, #tpu.memory_space<hbm>>
      tpu.wait_dma2 semaphore(%run_scoped3A : memref<!tpu.dma_semaphore, #tpu.memory_space<semaphore_mem>>) src(%arg7 : memref<1024xf32, #tpu.memory_space<vmem>>) dst(%dma_wait3A_743 : memref<1024xf32, #tpu.memory_space<hbm>>)
      tpu.yield
    }) : () -> ()
    return
  }
}

module attributes {stable_mosaic.version = 14 : i64} {
  func.func @_mlp_body(%arg0: i32, %arg1: memref<4096x896xf32, #tpu.memory_space<vmem>>, %arg2: memref<896x64xbf16, #tpu.memory_space<vmem>>, %arg3: memref<64x128xbf16, #tpu.memory_space<vmem>>, %arg4: memref<4096x128xf32, #tpu.memory_space<vmem>>) attributes {dimension_semantics = [#tpu.dimension_semantics<parallel>], iteration_bounds = array<i64: 13>, scalar_prefetch = 0 : i64, scratch_operands = 0 : i64, tpu.core_type = #tpu.core_type<tc>, window_params = [{transform_indices = @transform_0, window_bounds = array<i64: 4096, 896>}, {pipeline_mode = #tpu.pipeline_mode<synchronous>, transform_indices = @transform_1, window_bounds = array<i64: 896, 64>}, {pipeline_mode = #tpu.pipeline_mode<synchronous>, transform_indices = @transform_2, window_bounds = array<i64: 64, 128>}, {transform_indices = @transform_3, window_bounds = array<i64: 4096, 128>}]} {
    %get3A = arith.constant 0 : index
    %get3A_0 = arith.constant 0 : index
    %get3A_1 = vector.load %arg1[%get3A, %get3A_0] : memref<4096x896xf32, #tpu.memory_space<vmem>>, vector<4096x896xf32>
    %convert_element_type3A = arith.truncf %get3A_1 : vector<4096x896xf32> to vector<4096x896xbf16>
    %get3A_2 = arith.constant 0 : index
    %get3A_3 = arith.constant 0 : index
    %get3A_4 = vector.load %arg2[%get3A_2, %get3A_3] : memref<896x64xbf16, #tpu.memory_space<vmem>>, vector<896x64xbf16>
    %dot_general3A = arith.constant dense<0.000000e+00> : vector<4096x64xf32>
    %dot_general3A_5 = tpu.matmul %convert_element_type3A, %get3A_4, %dot_general3A {dimension_numbers = #tpu.dot_dimension_numbers<[1], [0], [0], [1], [0, 0, 1, 1], [], []>, transpose_lhs_hint = false} : vector<4096x896xbf16>, vector<896x64xbf16>, vector<4096x64xf32> -> vector<4096x64xf32>
    %ge3A = arith.constant 0.000000e+00 : f32
    %ge3A_6 = vector.broadcast %ge3A : f32 to vector<4096x64xf32>
    %ge3A_7 = arith.cmpf oge, %dot_general3A_5, %ge3A_6 : vector<4096x64xf32>
    %mul3A = arith.constant 3.000000e-01 : f32
    %mul3A_8 = vector.broadcast %mul3A : f32 to vector<4096x64xf32>
    %mul3A_9 = arith.mulf %mul3A_8, %dot_general3A_5 : vector<4096x64xf32>
    %select_n3A = arith.select %ge3A_7, %dot_general3A_5, %mul3A_9 : vector<4096x64xi1>, vector<4096x64xf32>
    %convert_element_type3A_10 = arith.truncf %select_n3A : vector<4096x64xf32> to vector<4096x64xbf16>
    %get3A_11 = arith.constant 0 : index
    %get3A_12 = arith.constant 0 : index
    %get3A_13 = vector.load %arg3[%get3A_11, %get3A_12] : memref<64x128xbf16, #tpu.memory_space<vmem>>, vector<64x128xbf16>
    %dot_general3A_14 = arith.constant dense<0.000000e+00> : vector<4096x128xf32>
    %dot_general3A_15 = tpu.matmul %convert_element_type3A_10, %get3A_13, %dot_general3A_14 {dimension_numbers = #tpu.dot_dimension_numbers<[1], [0], [0], [1], [0, 0, 1, 1], [], []>, transpose_lhs_hint = false} : vector<4096x64xbf16>, vector<64x128xbf16>, vector<4096x128xf32> -> vector<4096x128xf32>
    %swap3A = arith.constant 0 : index
    %swap3A_16 = arith.constant 0 : index
    %swap3A_17 = vector.load %arg4[%swap3A, %swap3A_16] : memref<4096x128xf32, #tpu.memory_space<vmem>>, vector<4096x128xf32>
    tpu.vector_store %arg4[%swap3A, %swap3A_16], %dot_general3A_15 {strides = array<i32>} : memref<4096x128xf32, #tpu.memory_space<vmem>>, vector<4096x128xf32>,
    return
  }
  func.func @transform_0(%arg0: i32) -> (i32, i32) {
    %c0_i32 = arith.constant 0 : i32
    %c0_i32_0 = arith.constant 0 : i32
    return %arg0, %c0_i32 : i32, i32
  }
  func.func @transform_1(%arg0: i32) -> (i32, i32) {
    %c0_i32 = arith.constant 0 : i32
    %c0_i32_0 = arith.constant 0 : i32
    %c0_i32_1 = arith.constant 0 : i32
    return %c0_i32, %c0_i32_0 : i32, i32
  }
  func.func @transform_2(%arg0: i32) -> (i32, i32) {
    %c0_i32 = arith.constant 0 : i32
    %c0_i32_0 = arith.constant 0 : i32
    %c0_i32_1 = arith.constant 0 : i32
    return %c0_i32, %c0_i32_0 : i32, i32
  }
  func.func @transform_3(%arg0: i32) -> (i32, i32) {
    %c0_i32 = arith.constant 0 : i32
    %c0_i32_0 = arith.constant 0 : i32
    return %arg0, %c0_i32 : i32, i32
  }
}

</mosaic_0001>

<sc_bundles>
// kernel: kernel.4.cloned.1.call-start
scs
__scs_entry_jumppad:
0x0: {  	(pc) =	sbr.rel $0x88, $3  }
0x1: {  	(tag) =	ssettag $0x0;
	lr =	simm.s32 $0x1  }
0x2: {  	[smem:$0x3F9D] =	sst lr;
	_ =	strace $0xD0000000  }
0x3: {  	_ = 	snop  }
0x4: {  	_ = 	snop  }
0x5: {  	_ = 	snop  }
0x6: {  	_ = 	snop  }
0x7: {  	_ = 	snop  }
__scs_overlays_trampoline_lowered:
0x8: {  	[smem:$0x3FAC] =	sst s0  }
0x9: {  	[smem:$0x3FAD] =	sst s1  }
0xa: {  	[smem:$0x3FAE] =	sst s2  }
0xb: {  	[smem:$0x3FAF] =	sst s3  }
0xc: {  	[smem:$0x3FB0] =	sst s4  }
0xd: {  	[smem:$0x3FB1] =	sst s5  }
0xe: {  	[smem:$0x3FB2] =	sst s6  }
0xf: {  	[smem:$0x3FB3] =	sst s7  }
0x10: {  	[smem:$0x3FB4] =	sst s8  }
0x11: {  	[smem:$0x3FB5] =	sst s9;
	s0 =	simm.s32 @!p0 $0x0  }
0x12: {  	s1 =	sld [smem:$0x3F9B];
	s0 =	simm.s32 @p0 $0x1  }
0x13: {  	[smem:$0x3FB6] =	sst s0;
	s0 =	simm.s32 @!p1 $0x0  }
0x14: {  	s2 =	sld [smem:$0x3F9A];
	s0 =	simm.s32 @p1 $0x1  }
0x15: {  	[smem:$0x3FB7] =	sst s0;
	s0 =	simm.s32 @!p2 $0x0  }
0x16: {  	s3 =	sld [smem:$0x3FDB];
	s0 =	simm.s32 @p2 $0x1  }
0x17: {  	s4 =	simm.s32 $0x1BF5;
	[smem:$0x3FB9] =	sst s0  }
0x18: {  	s0 =	sld [smem:$0x3F9C];
	_ =	swait.ge [sflag:s4], $0x0  }
0x19: {  	s7 =	sld [smem:$0x3F9D]  }
0x1a: {  	s8 =	sadd.s32 $0xFFFFE003, lr  }
0x1b: {  	s9 =	sadd.s32 $0xFFFFFEF7, lr;
	s5 =	simm.s32 $0xFFFFFFFF;
	p2 =	slt.u32 s8, $0xFFFFF086  }
0x1c: {  	p1 =	slt.u32 s9, $0xF7A;
	s5 =	simm.s32 @!p2 $0x0  }
0x1d: {  	s5 =	simm.s32 @p1 $0x1;
	p0 =	seq.s32 s7, s2  }
0x1e: {  	s7 =	smul.u32 @!p0 $0xF7A, s2;
	p2 =	seq.s32 @!p0 s5, $0x0  }
0x1f: {  	s9 =	smul.u32 $0xF7A, s1;
	s8 =	simm.s32 @!p0 $0x1BF5;
	p2 =	por !p2, p0  }
0x20: {  	[sflag:s8] =	ssyncset.s32 @!p0 $0xFFFFF086;
	s6 =	sadd.s32 @!p0 s3, s7;
	s7 =	simm.s32 @!p0 $0x108  }
0x21: {  	s3 =	sadd.s32 s3, s9;
	s6 =	sadd.s32 @!p0 $0x88, s6;
	s7 =	simm.s32 @p2 $0x1082  }
0x22: {  	[simem:s7], [sflag:s8] =	dma.local @!p0 [hbm:s6], $0xF7A  }
0x23: {  	s9 =	sor.u32 $0xD0000000, s2;
	s6 =	simm.s32 $0x108;
	_ =	swait.ge @!p0 [sflag:s8], $0x0  }
0x24: {  	s3 =	sadd.s32 $0x88, s3;
	s6 =	simm.s32 @!p1 $0x1082;
	[sflag:s4] =	ssyncset.s32 $0xFFFFF086  }
0x25: {  	[simem:s6], [sflag:s4] =	dma.local [hbm:s3], $0xF7A  }
0x26: {  	[smem:$0x3F9D] =	sst s1;
	(tag) =	ssettag s2;
	_ =	strace s9  }
0x27: {  	s1 =	sld [smem:$0x3FAD]  }
0x28: {  	s2 =	sld [smem:$0x3FAE]  }
0x29: {  	s4 =	sld [smem:$0x3FB0]  }
0x2a: {  	p0 =	seq.s32 s5, $0x0;
	s5 =	sld [smem:$0x3FB1]  }
0x2b: {  	s6 =	sld [smem:$0x3FB2]  }
0x2c: {  	s7 =	sld [smem:$0x3FB3]  }
0x2d: {  	s3 =	simm.s32 $0x108;
	s8 =	sld [smem:$0x3FB4]  }
0x2e: {  	s3 =	simm.s32 @!p0 $0x1082;
	s9 =	sld [smem:$0x3FB5]  }
0x2f: {  	lr =	sadd.s32 s0, s3;
	s0 =	sld [smem:$0x3FAC]  }
0x30: {  	s3 =	sld [smem:$0x3FAF]  }
0x31: {  	[smem:$0x3FB8] =	sst s10  }
0x32: {  	s10 =	sld [smem:$0x3FB6];
	_ =	sdelay $0x3  }
0x33: {  	p0 =	seq.s32 s10, $0x1;
	s10 =	sld [smem:$0x3FB8];
	_ =	sdelay $0x3  }
0x34: {  	[smem:$0x3FB8] =	sst s10  }
0x35: {  	s10 =	sld [smem:$0x3FB7];
	_ =	sdelay $0x3  }
0x36: {  	p1 =	seq.s32 s10, $0x1;
	s10 =	sld [smem:$0x3FB8];
	_ =	sdelay $0x3  }
0x37: {  	[smem:$0x3FB8] =	sst s10  }
0x38: {  	s10 =	sld [smem:$0x3FB9]  }
0x39: {  	_ = 	snop;
	(pc) =	sbr.ind lr, $3  }
0x3a: {  	_ = 	snop  }
0x3b: {  	_ = 	snop  }
0x3c: {  	p2 =	seq.s32 s10, $0x1;
	s10 =	sld [smem:$0x3FB8]  }
0x3d: {  	_ =	shalt  }
0x3e: {  	_ =	shalt  }
0x3f: {  	_ =	shalt  }
0x40: {  	_ =	shalt  }
0x41: {  	_ =	shalt  }
0x42: {  	_ =	shalt  }
0x43: {  	_ =	shalt  }
0x44: {  	_ =	shalt  }
0x45: {  	_ =	shalt  }
0x46: {  	_ =	shalt  }
0x47: {  	_ =	shalt  }
0x48: {  	_ =	shalt  }
0x49: {  	_ =	shalt  }
0x4a: {  	_ =	shalt  }
0x4b: {  	_ =	shalt  }
0x4c: {  	_ =	shalt  }
0x4d: {  	_ =	shalt  }
0x4e: {  	_ =	shalt  }
0x4f: {  	_ =	shalt  }
0x50: {  	_ =	shalt  }
0x51: {  	_ =	shalt  }
0x52: {  	_ =	shalt  }
0x53: {  	_ =	shalt  }
0x54: {  	_ =	shalt  }
0x55: {  	_ =	shalt  }
0x56: {  	_ =	shalt  }
0x57: {  	_ =	shalt  }
0x58: {  	_ =	shalt  }
0x59: {  	_ =	shalt  }
0x5a: {  	_ =	shalt  }
0x5b: {  	_ =	shalt  }
0x5c: {  	_ =	shalt  }
0x5d: {  	_ =	shalt  }
0x5e: {  	_ =	shalt  }
0x5f: {  	_ =	shalt  }
0x60: {  	_ =	shalt  }
0x61: {  	_ =	shalt  }
0x62: {  	_ =	shalt  }
0x63: {  	_ =	shalt  }
0x64: {  	_ =	shalt  }
0x65: {  	_ =	shalt  }
0x66: {  	_ =	shalt  }
0x67: {  	_ =	shalt  }
0x68: {  	_ =	shalt  }
0x69: {  	_ =	shalt  }
0x6a: {  	_ =	shalt  }
0x6b: {  	_ =	shalt  }
0x6c: {  	_ =	shalt  }
0x6d: {  	_ =	shalt  }
0x6e: {  	_ =	shalt  }
0x6f: {  	_ =	shalt  }
0x70: {  	_ =	shalt  }
0x71: {  	_ =	shalt  }
0x72: {  	_ =	shalt  }
0x73: {  	_ =	shalt  }
0x74: {  	_ =	shalt  }
0x75: {  	_ =	shalt  }
0x76: {  	_ =	shalt  }
0x77: {  	_ =	shalt  }
0x78: {  	_ =	shalt  }
0x79: {  	_ =	shalt  }
0x7a: {  	_ =	shalt  }
0x7b: {  	_ =	shalt  }
0x7c: {  	_ =	shalt  }
0x7d: {  	_ =	shalt  }
0x7e: {  	_ =	shalt  }
0x7f: {  	_ =	shalt  }
0x80: {  	_ =	shalt  }
0x81: {  	_ =	shalt  }
0x82: {  	_ =	shalt  }
0x83: {  	_ =	shalt  }
0x84: {  	_ =	shalt  }
0x85: {  	_ =	shalt  }
0x86: {  	_ =	shalt  }
0x87: {  	_ =	shalt  }
.Lfunc_end0:
.L_simem_size_0:
called_computation_lowered:
.L_overlay_start_0:
0x88: {  	s2 =	sld [smem:$0x3FD9]  }
0x89: {  	s3 =	sld [smem:$0x3FFE];
	_ =	sdelay $0x1  }
0x8a: {  	s1 =	srdreg.scid  }
0x8b: {  	s0 =	sand.u32 $0x1, s1  }
0x8c: {  	s17 =	sshll.u32 s0, $0xA;
	s2 =	sadd.s32 s3, s2  }
0x8d: {  	s2 =	sadd.s32 s2, s17  }
0x8e: {  	[smem:$0x3FC4] =	sst s2  }
0x8f: {  	_ = 	snop  }
0x90: {  	s2 =	sld [smem:$0x3FD0];
	(tm) =	ssettm $0x1  }
0x91: {  	s18 =	sld [smem:$0x3FFB];
	_ =	sdelay $0x3  }
0x92: {  	_ =	strace s18  }
0x93: {  	s3 =	sld [smem:$0x3FFC];
	_ =	sdelay $0x3  }
0x94: {  	_ =	strace s3  }
0x95: {  	s3 =	sld [smem:$0x3FFD];
	_ =	sdelay $0x3  }
0x96: {  	_ =	strace s3  }
0x97: {  	_ =	strace $0x8FFFFFFF  }
0x98: {  	s19 =	sld [smem:$0x3FDB];
	_ =	sdelay $0x1  }
0x99: {  	s4 =	simm.s32 $_scs_section_size  }
0x9a: {  	s5 =	simm.s32 $_size__tile_overlayer_lowered;
	s6 =	simm.s32 $_tile_overlayer_lowered  }
0x9b: {  	s22 =	simm.s32 $0x1BFF;
	s21 =	sshll.u32 s6, $0x1;
	s3 =	sadd.s32 s4, s19  }
0x9c: {  	s7 =	simm.s32 $0x0;
	s20 =	sshll.u32 s5, $0x1;
	s5 =	sadd.s32 s21, s3  }
0x9d: {  	[timem:s7], [sflag:s22] =	dma.local [hbm:s5], s20  }
0x9e: {  	_ =	swait.ge [sflag:s22], s20  }
0x9f: {  	s4 =	ssub.s32 $0x0, s20;
	[sflag:s22] =	ssyncset.done $0x0  }
0xa0: {  	[sflag:s22] =	ssyncadd.s32 s4;
	_ =	sdelay $0x1  }
0xa1: {  	s23 =	simm.s32 $0x1B8B  }
0xa2: {  	_ =	swait.ge [sflag:s23], $0x1  }
0xa3: {  	[sflag:s23] =	ssyncset.done $0x0  }
0xa4: {  	s25 =	simm.s32 $0x1B8E;
	s24 =	sld [smem:$0x3FFE];
	[sflag:s23] =	ssyncadd.s32 $0xFFFFFFFF  }
0xa5: {  	s26 =	simm.s32 $execute0_lowered;
	[smem:$0x3FD2] =	sst s25  }
0xa6: {  	s5 =	sshll.u32 s26, $0x1;
	_ =	strace $0x80000046;
	[dreg:$0x1] =	wrdreg $0xFFFFFFFF  }
0xa7: {  	s28 =	simm.s32 $_size_execute0_lowered;
	s3 =	sadd.s32 s3, s5;
	[dreg:$0x0] =	wrdreg $0x0  }
0xa8: {  	s5 =	sshll.u32 s28, $0x1;
	[dreg:$0x2] =	wrdreg s3  }
0xa9: {  	[dreg:$0x3] =	wrdreg s5  }
0xaa: {  	[dreg:$0x4] =	wrdreg $0xC0  }
0xab: {  	_ =	task [dreg:s7], $0x5FFFF  }
0xac: {  	[dreg:$0x1] =	wrdreg $0xFFFFFFFF  }
0xad: {  	[dreg:$0x0] =	wrdreg $0x60  }
0xae: {  	[dreg:$0x2] =	wrdreg s24  }
0xaf: {  	[dreg:$0x3] =	wrdreg s2  }
0xb0: {  	[dreg:$0x4] =	wrdreg $0x9  }
0xb1: {  	_ =	task.clear_ibuf [dreg:s7], $0x5FFFF;
	_ =	strace $0x90000046  }
0xb2: {  	s29 =	simm.s32 $0x9;
	_ =	strace $0x80000048  }
0xb3: {  	_ =	swait.ge [sflag:s29], $0x1  }
0xb4: {  	[sflag:s29] =	ssyncadd.s32 $0xFFFFFFFF  }
0xb5: {  	_ =	strace $0x90000048  }
0xb6: {  	_ =	sfence  }
0xb7: {  	s30 =	sld [smem:$0x0];
	_ =	sdelay $0x2  }
0xb8: {  	s31 =	sshll.u32 s1, $0xD;
	s1 =	sshrl.u32 s1, $0x2  }
0xb9: {  	s3 =	sand.u32 $0x4000, s31;
	s1 =	sadd.s32 s1, s30  }
0xba: {  	s0 =	sor.u32 s3, s0;
	s1 =	sshll.u32 s1, $0x11  }
0xbb: {  	s0 =	sor.u32 s1, s0  }
0xbc: {  	s0 =	sadd.s32 $0x8F2B, s0  }
0xbd: {  	[sflag:s0] =	ssyncadd.remote.s32 $0x1  }
0xbe: {  	_ =	sfence.sel $0xFFFF  }
0xbf: {  	[dreg:$0x0] =	wrdreg $0xFFFFFFFF;
	(pc) =	sbr.abs _section_cstart, $3  }
0xc0: {  	[dreg:$0x1] =	wrdreg $0xFFFFFFFF  }
0xc1: {  	_ =	task.clear_ibuf [dreg:s7], $0x2FFFF;
	_ =	strace $0x9FFFFFFF  }
0xc2: {  	(tm) =	ssettm $0x7FFFFFFF  }
0xc3: {  	_ =	shalt  }
tec
execute0_lowered:
.L_overlay_start_1:
0x0: {  	(tag) =	ssettag $0x1  }
0x1: {  	s1 =	srdreg.scid;
	s7 =	rddreg [dreg:$0x0]  }
0x2: {  	s0 =	stileid.u32;
	s3 =	rddreg [dreg:$0x1]  }
0x3: {  	s5 =	simm.s32 $0x0;
	s8 =	sand.u32 $0x1, s1;
	s31 =	sshll.u32 s0, $0x8  }
0x4: {  	s9 =	sshrl.u32 s0, $0x2;
	s2 =	sshll.u32 s8, $0x7;
	s1 =	sand.u32 $0x300, s31  }
0x5: {  	[smem:$0x7FF] =	sst s5;
	s4 =	sshll.u32 s9, $0xC;
	s10 =	sor.u32 s2, s1  }
0x6: {  	s1 =	rddreg [dreg:$0x2];
	s2 =	sor.u32 s4, s10  }
0x7: {  	_ =	strace $0x80000047;
	s4 =	simm.s32 $0x400;
	s2 =	sshrl.u32 s2, $0x3  }
0x8: {  	s6 =	sadd.s32 s3, s2;
	s3 =	simm.s32 $0x80;
	s2 =	simm.s32 $0x2  }
0x9: {  	[tilespmem:s5], [sflag:$0x2] =	stream.strided.gather [hbm4b:s6+s3], $0x200, s4, s3, $0x38;
	[tilespmem:$0xA00] =	vst v63  }
0xa: {  	_ =	swait.ge [sflag:s2], $0x200  }
0xb: {  	[sflag:s2] =	ssyncset.done $0x0  }
0xc: {  	[sflag:s2] =	ssyncadd.s32 $0xFFFFFE00  }
0xd: {  	v0 =	vld [tilespmem:$0x1F0]  }
0xe: {  	v1 =	vld [tilespmem:$0x1B0]  }
0xf: {  	v4 =	vld [tilespmem:$0x70];
	_ =	sdelay $0x2  }
0x10: {  	v2 =	vld [tilespmem:$0x30];
	v0 =	vshll.u32 v0, $0x7  }
0x11: {  	v3 =	vld [tilespmem:$0x20];
	v1 =	vshll.u32 v1, $0x7;
	[tilespmem:$0x3F0] =	vst v0  }
0x12: {  	v5 =	vld [tilespmem:$0x10];
	v4 =	vshll.u32 v4, $0x7;
	[tilespmem:$0x3B0] =	vst v1  }
0x13: {  	v0 =	vor.u32 $0x1, v0;
	[tilespmem:$0x270] =	vst v4  }
0x14: {  	v4 =	vor.u32 $0x1, v4;
	[tilespmem:$0x5F0] =	vst v0  }
0x15: {  	v0 =	vor.u32 $0x1, v1;
	[tilespmem:$0x470] =	vst v4  }
0x16: {  	v1 =	vshll.u32 v2, $0x7;
	v2 =	vld [tilespmem:$0xF0];
	[tilespmem:$0x5B0] =	vst v0  }
0x17: {  	v4 =	vshll.u32 v5, $0x7;
	v0 =	vshll.u32 v3, $0x7;
	[tilespmem:$0x230] =	vst v1;
	v3 =	vld [tilespmem:$0x60]  }
0x18: {  	v1 =	vor.u32 $0x1, v1;
	[tilespmem:$0x210] =	vst v4  }
0x19: {  	[tilespmem:$0x430] =	vst v1;
	v1 =	vld [tilespmem:$0xE0]  }
0x1a: {  	[tilespmem:$0x220] =	vst v0;
	v0 =	vor.u32 $0x1, v0  }
0x1b: {  	[tilespmem:$0x420] =	vst v0;
	v0 =	vld [tilespmem:$0x0];
	v2 =	vshll.u32 v2, $0x7  }
0x1c: {  	v3 =	vshll.u32 v3, $0x7;
	[tilespmem:$0x2F0] =	vst v2  }
0x1d: {  	v2 =	vor.u32 $0x1, v2;
	[tilespmem:$0x260] =	vst v3  }
0x1e: {  	v1 =	vshll.u32 v1, $0x7;
	[tilespmem:$0x4F0] =	vst v2  }
0x1f: {  	v5 =	vld [tilespmem:$0xD0];
	v2 =	vor.u32 $0x1, v3;
	[tilespmem:$0x2E0] =	vst v1  }
0x20: {  	v6 =	vld [tilespmem:$0x50];
	v0 =	vshll.u32 v0, $0x7;
	[tilespmem:$0x460] =	vst v2  }
0x21: {  	v1 =	vor.u32 $0x1, v1;
	[tilespmem:$0x200] =	vst v0  }
0x22: {  	v0 =	vor.u32 $0x1, v0;
	[tilespmem:$0x4E0] =	vst v1  }
0x23: {  	v3 =	vld [tilespmem:$0xC0];
	v1 =	vor.u32 $0x1, v4;
	[tilespmem:$0x400] =	vst v0  }
0x24: {  	v2 =	vld [tilespmem:$0xB0];
	v0 =	vshll.u32 v5, $0x7;
	[tilespmem:$0x410] =	vst v1  }
0x25: {  	v1 =	vshll.u32 v6, $0x7;
	[tilespmem:$0x2D0] =	vst v0  }
0x26: {  	v4 =	vld [tilespmem:$0x160];
	v0 =	vor.u32 $0x1, v0;
	[tilespmem:$0x250] =	vst v1  }
0x27: {  	v1 =	vor.u32 $0x1, v1;
	[tilespmem:$0x4D0] =	vst v0  }
0x28: {  	v5 =	vld [tilespmem:$0x40];
	v3 =	vshll.u32 v3, $0x7;
	[tilespmem:$0x450] =	vst v1  }
0x29: {  	[tilespmem:$0x2C0] =	vst v3;
	v0 =	vshll.u32 v2, $0x7  }
0x2a: {  	v1 =	vor.u32 $0x1, v3;
	[tilespmem:$0x2B0] =	vst v0  }
0x2b: {  	v2 =	vld [tilespmem:$0x150];
	[tilespmem:$0x4C0] =	vst v1;
	v1 =	vshll.u32 v4, $0x7  }
0x2c: {  	v0 =	vor.u32 $0x1, v0;
	[tilespmem:$0x360] =	vst v1  }
0x2d: {  	v4 =	vld [tilespmem:$0xA0];
	v3 =	vshll.u32 v5, $0x7;
	[tilespmem:$0x4B0] =	vst v0  }
0x2e: {  	v1 =	vor.u32 $0x1, v1;
	v5 =	vld [tilespmem:$0x140];
	[tilespmem:$0x240] =	vst v3  }
0x2f: {  	[tilespmem:$0x560] =	vst v1;
	v1 =	vor.u32 $0x1, v3  }
0x30: {  	v3 =	vld [tilespmem:$0x130];
	[tilespmem:$0x440] =	vst v1;
	v0 =	vshll.u32 v2, $0x7  }
0x31: {  	v1 =	vld [tilespmem:$0x90];
	v2 =	vor.u32 $0x1, v0;
	[tilespmem:$0x350] =	vst v0  }
0x32: {  	v7 =	vld [tilespmem:$0x110];
	v0 =	vshll.u32 v4, $0x7;
	[tilespmem:$0x550] =	vst v2  }
0x33: {  	s8 =	ssub.s32 $0x2, s8;
	v10 =	vld [tilespmem:$0x1A0];
	v4 =	vshll.u32 v5, $0x7;
	[tilespmem:$0x2A0] =	vst v0  }
0x34: {  	s13 =	simm.s32 $0x680;
	s14 =	simm.s32 $0x300;
	s11 =	sshrl.u32 s8, $0x1;
	v2 =	vld [tilespmem:$0x80];
	v0 =	vor.u32 $0x1, v0;
	[tilespmem:$0x340] =	vst v4  }
0x35: {  	s15 =	simm.s32 $0x700;
	s16 =	simm.s32 $0x380;
	s8 =	ssub.s32 s8, s11;
	v5 =	vld [tilespmem:$0x120];
	v4 =	vor.u32 $0x1, v4;
	[tilespmem:$0x4A0] =	vst v0  }
0x36: {  	s17 =	simm.s32 $0x780;
	s18 =	simm.s32 $0x800;
	s25 =	smax.u32 s8, $0x1;
	v3 =	vshll.u32 v3, $0x7;
	v0 =	vshll.u32 v1, $0x7;
	v1 =	vld [tilespmem:$0x100];
	[tilespmem:$0x540] =	vst v4  }
0x37: {  	s19 =	simm.s32 $0x480;
	s20 =	simm.s32 $0x880;
	p0 =	sne.s32 s25, $0x1;
	[tilespmem:$0x330] =	vst v3  }
.Ltmp0:
0x38: {  	s21 =	simm.s32 $0x500;
	s22 =	simm.s32 $0x900;
	v9 =	vld [tilespmem:$0x180];
	[tilespmem:$0x290] =	vst v0;
	v0 =	vor.u32 $0x1, v0;
	(pc) =	sbr.rel @!p0 .LBB2_2-.Ltmp0, $4  }
0x39: {  	s23 =	simm.s32 $0x580;
	s24 =	simm.s32 $0x980;
	s9 =	sshll.u32 s9, $0xD;
	v8 =	vld [tilespmem:$0x170];
	[tilespmem:$0x490] =	vst v0;
	v4 =	vshll.u32 v2, $0x7;
	v2 =	vor.u32 $0x1, v3  }
0x3a: {  	s12 =	simm.s32 $0x1;
	s9 =	sor.u32 s9, s10;
	s11 =	simm.s32 $0x280;
	v6 =	vld [tilespmem:$0x190];
	v11 =	vshll.u32 v5, $0x7;
	v3 =	vshll.u32 v7, $0x7;
	[tilespmem:$0x530] =	vst v2  }
0x3b: {  	s10 =	sshrl.u32 s9, $0x3;
	s9 =	sadd.s32 $0x1E00, s7;
	s8 =	simm.s32 $0x600;
	v7 =	vshll.u32 v10, $0x7;
	v0 =	vor.u32 $0x1, v4;
	[tilespmem:$0x280] =	vst v4;
	v2 =	vshll.u32 v1, $0x7  }
0x3c: {  	s7 =	sadd.s32 s7, s10;
	s10 =	simm.s32 $0x200;
	s25 =	sadd.s32 $0xFFFFFFFF, s25;
	v5 =	vor.u32 $0x1, v11;
	v4 =	vor.u32 $0x1, v3;
	[tilespmem:$0x320] =	vst v11;
	v1 =	vor.u32 $0x1, v2  }
.LBB2_1:
0x3d: {  	p0 =	sne.s32 s25, $0x1;
	s25 =	sadd.s32 $0xFFFFFFFF, s25;
	[tilespmem:$0x3A0] =	vst v7  }
0x3e: {  	[tilespmem:$0x480] =	vst v0;
	v0 =	vshll.u32 v9, $0x7  }
0x3f: {  	v6 =	vshll.u32 v6, $0x7;
	[tilespmem:$0x520] =	vst v5;
	v5 =	vshll.u32 v8, $0x7;
	v8 =	vor.u32 $0x1, v0  }
0x40: {  	v7 =	vor.u32 $0x1, v7;
	v9 =	vor.u32 $0x1, v5;
	[tilespmem:$0x380] =	vst v0;
	v0 =	vor.u32 $0x1, v6  }
0x41: {  	[tilespmem:$0x310] =	vst v3;
	v3 =	vld [tilespmem:$0x1D0]  }
0x42: {  	[tilespmem:$0x390] =	vst v6;
	v6 =	vld [tilespmem:$0x1C0]  }
0x43: {  	[tilespmem:$0x510] =	vst v4  }
0x44: {  	[tilespmem:$0x580] =	vst v8  }
0x45: {  	[tilespmem:$0x300] =	vst v2  }
0x46: {  	[tilespmem:$0x370] =	vst v5;
	v2 =	vshll.u32 v3, $0x7;
	v3 =	vld [tilespmem:$0x1E0]  }
0x47: {  	v4 =	vshll.u32 v6, $0x7;
	[tilespmem:$0x3D0] =	vst v2;
	v2 =	vor.u32 $0x1, v2  }
0x48: {  	[tilespmem:$0x500] =	vst v1;
	v1 =	vor.u32 $0x1, v4  }
0x49: {  	[tilespmem:$0x5D0] =	vst v2  }
0x4a: {  	[tilespmem:$0x590] =	vst v0  }
0x4b: {  	[tilespmem:$0x5A0] =	vst v7;
	v0 =	vshll.u32 v3, $0x7  }
0x4c: {  	[tilespmem:$0x3E0] =	vst v0;
	v0 =	vor.u32 $0x1, v0  }
0x4d: {  	[tilespmem:$0x3C0] =	vst v4  }
0x4e: {  	[tilespmem:$0x570] =	vst v9  }
0x4f: {  	[tilespmem:$0x5E0] =	vst v0  }
0x50: {  	[tilespmem:$0x5C0] =	vst v1  }
0x51: {  	[tilespmem:s8], [sflag:$0x1] =	stream.indirect.gather [hbm4b:s9+s3], $0x1, s10, s3, $0xb8;
	[tilespmem:$0xA00] =	vst v63  }
0x52: {  	_ = 	snop  }
0x53: {  	[tilespmem:s13], [sflag:$0x1] =	stream.indirect.gather [hbm4b:s9+s3], $0x1, s11, s3, $0xb8;
	[tilespmem:$0xA00] =	vst v63  }
0x54: {  	_ = 	snop  }
0x55: {  	[tilespmem:s15], [sflag:$0x1] =	stream.indirect.gather [hbm4b:s9+s3], $0x1, s14, s3, $0xb8;
	[tilespmem:$0xA00] =	vst v63  }
0x56: {  	_ = 	snop  }
0x57: {  	[tilespmem:s17], [sflag:$0x1] =	stream.indirect.gather [hbm4b:s9+s3], $0x1, s16, s3, $0xb8;
	[tilespmem:$0xA00] =	vst v63  }
0x58: {  	_ = 	snop  }
0x59: {  	[tilespmem:s18], [sflag:$0x1] =	stream.indirect.gather [hbm4b:s9+s3], $0x1, s4, s3, $0xb8;
	[tilespmem:$0xA00] =	vst v63  }
0x5a: {  	_ = 	snop  }
0x5b: {  	[tilespmem:s20], [sflag:$0x1] =	stream.indirect.gather [hbm4b:s9+s3], $0x1, s19, s3, $0xb8;
	[tilespmem:$0xA00] =	vst v63  }
0x5c: {  	_ = 	snop  }
0x5d: {  	[tilespmem:s22], [sflag:$0x1] =	stream.indirect.gather [hbm4b:s9+s3], $0x1, s21, s3, $0xb8;
	[tilespmem:$0xA00] =	vst v63  }
0x5e: {  	_ = 	snop  }
0x5f: {  	[tilespmem:s24], [sflag:$0x1] =	stream.indirect.gather [hbm4b:s9+s3], $0x1, s23, s3, $0xb8;
	[tilespmem:$0xA00] =	vst v63  }
0x60: {  	_ =	swait.ge [sflag:s12], $0x80  }
0x61: {  	[sflag:s12] =	ssyncset.done $0x0  }
0x62: {  	[sflag:s12] =	ssyncadd.s32 $0xFFFFFF80  }
0x63: {  	_ =	swait.ge [sflag:s12], $0x80  }
0x64: {  	[sflag:s12] =	ssyncset.done $0x0  }
0x65: {  	[sflag:s12] =	ssyncadd.s32 $0xFFFFFF80  }
0x66: {  	_ =	swait.ge [sflag:s12], $0x80  }
0x67: {  	[sflag:s12] =	ssyncset.done $0x0  }
0x68: {  	[sflag:s12] =	ssyncadd.s32 $0xFFFFFF80  }
0x69: {  	_ =	swait.ge [sflag:s12], $0x80  }
0x6a: {  	[sflag:s12] =	ssyncset.done $0x0  }
0x6b: {  	[sflag:s12] =	ssyncadd.s32 $0xFFFFFF80  }
0x6c: {  	_ =	swait.ge [sflag:s12], $0x80  }
0x6d: {  	[sflag:s12] =	ssyncset.done $0x0  }
0x6e: {  	[sflag:s12] =	ssyncadd.s32 $0xFFFFFF80  }
0x6f: {  	_ =	swait.ge [sflag:s12], $0x80  }
0x70: {  	[sflag:s12] =	ssyncset.done $0x0  }
0x71: {  	[sflag:s12] =	ssyncadd.s32 $0xFFFFFF80  }
0x72: {  	_ =	swait.ge [sflag:s12], $0x80  }
0x73: {  	[sflag:s12] =	ssyncset.done $0x0  }
0x74: {  	[sflag:s12] =	ssyncadd.s32 $0xFFFFFF80  }
0x75: {  	_ =	swait.ge [sflag:s12], $0x80  }
0x76: {  	[sflag:s12] =	ssyncset.done $0x0  }
0x77: {  	[sflag:s12] =	ssyncadd.s32 $0xFFFFFF80  }
0x78: {  	[hbm4b:s7+s3] =	stream.strided.scatter [tilespmem:s8], [sflag:$0x2], $0x400, s4, s3, $0x38;
	[tilespmem:$0xA00] =	vst v63  }
0x79: {  	_ =	swait.ge [sflag:s2], $0x400  }
0x7a: {  	[sflag:s2] =	ssyncset.done $0x0  }
0x7b: {  	[sflag:s2] =	ssyncadd.s32 $0xFFFFFC00  }
0x7c: {  	[tilespmem:s5], [sflag:$0x2] =	stream.strided.gather [hbm4b:s6+s3], $0x200, s4, s3, $0x38;
	[tilespmem:$0xA00] =	vst v63  }
0x7d: {  	_ =	swait.ge [sflag:s2], $0x200  }
0x7e: {  	[sflag:s2] =	ssyncset.done $0x0  }
0x7f: {  	[sflag:s2] =	ssyncadd.s32 $0xFFFFFE00  }
0x80: {  	v0 =	vld [tilespmem:$0x1F0]  }
0x81: {  	v1 =	vld [tilespmem:$0x1B0]  }
0x82: {  	v2 =	vld [tilespmem:$0x10]  }
0x83: {  	v3 =	vld [tilespmem:$0x20]  }
0x84: {  	v4 =	vld [tilespmem:$0x30]  }
0x85: {  	v5 =	vld [tilespmem:$0x0];
	v0 =	vshll.u32 v0, $0x7  }
0x86: {  	v6 =	vld [tilespmem:$0x70];
	[tilespmem:$0x3F0] =	vst v0;
	v0 =	vor.u32 $0x1, v0  }
0x87: {  	v1 =	vshll.u32 v1, $0x7;
	v7 =	vld [tilespmem:$0x60];
	[tilespmem:$0x5F0] =	vst v0  }
0x88: {  	v0 =	vld [tilespmem:$0x50];
	[tilespmem:$0x3B0] =	vst v1;
	v1 =	vor.u32 $0x1, v1  }
0x89: {  	v3 =	vshll.u32 v3, $0x7;
	v4 =	vshll.u32 v4, $0x7;
	v8 =	vld [tilespmem:$0x40];
	[tilespmem:$0x5B0] =	vst v1  }
0x8a: {  	v2 =	vshll.u32 v2, $0x7;
	v1 =	vshll.u32 v5, $0x7;
	v5 =	vor.u32 $0x1, v3;
	[tilespmem:$0x230] =	vst v4;
	v9 =	vld [tilespmem:$0xF0]  }
0x8b: {  	v11 =	vor.u32 $0x1, v2;
	v10 =	vor.u32 $0x1, v1;
	[tilespmem:$0x220] =	vst v3;
	v3 =	vshll.u32 v6, $0x7;
	v6 =	vld [tilespmem:$0xE0]  }
0x8c: {  	v4 =	vor.u32 $0x1, v4;
	v7 =	vshll.u32 v7, $0x7;
	[tilespmem:$0x270] =	vst v3;
	v3 =	vor.u32 $0x1, v3;
	v12 =	vld [tilespmem:$0xD0]  }
0x8d: {  	[tilespmem:$0x430] =	vst v4;
	v4 =	vshll.u32 v0, $0x7;
	v0 =	vor.u32 $0x1, v7;
	v13 =	vld [tilespmem:$0xC0]  }
0x8e: {  	[tilespmem:$0x420] =	vst v5;
	v5 =	vshll.u32 v8, $0x7;
	v8 =	vor.u32 $0x1, v4;
	v14 =	vld [tilespmem:$0xB0]  }
0x8f: {  	v15 =	vor.u32 $0x1, v5;
	[tilespmem:$0x470] =	vst v3;
	v3 =	vld [tilespmem:$0xA0];
	v9 =	vshll.u32 v9, $0x7  }
0x90: {  	v16 =	vld [tilespmem:$0x90];
	v6 =	vshll.u32 v6, $0x7;
	[tilespmem:$0x2F0] =	vst v9;
	v9 =	vor.u32 $0x1, v9  }
0x91: {  	[tilespmem:$0x260] =	vst v7;
	v7 =	vld [tilespmem:$0x80];
	v12 =	vshll.u32 v12, $0x7;
	v17 =	vor.u32 $0x1, v6  }
0x92: {  	[tilespmem:$0x210] =	vst v2;
	v2 =	vshll.u32 v13, $0x7;
	v13 =	vor.u32 $0x1, v12  }
0x93: {  	v14 =	vshll.u32 v14, $0x7;
	v18 =	vor.u32 $0x1, v2;
	[tilespmem:$0x4F0] =	vst v9  }
0x94: {  	v9 =	vshll.u32 v3, $0x7;
	v3 =	vor.u32 $0x1, v14;
	[tilespmem:$0x2E0] =	vst v6  }
0x95: {  	[tilespmem:$0x200] =	vst v1;
	v6 =	vshll.u32 v16, $0x7;
	v16 =	vor.u32 $0x1, v9  }
0x96: {  	[tilespmem:$0x460] =	vst v0;
	v7 =	vshll.u32 v7, $0x7;
	v19 =	vor.u32 $0x1, v6  }
0x97: {  	[tilespmem:$0x400] =	vst v10;
	v0 =	vor.u32 $0x1, v7  }
0x98: {  	[tilespmem:$0x4E0] =	vst v17  }
0x99: {  	[tilespmem:$0x2D0] =	vst v12  }
0x9a: {  	[tilespmem:$0x410] =	vst v11  }
0x9b: {  	[tilespmem:$0x2C0] =	vst v2;
	v1 =	vld [tilespmem:$0x160]  }
0x9c: {  	[tilespmem:$0x250] =	vst v4;
	v2 =	vld [tilespmem:$0x150]  }
0x9d: {  	[tilespmem:$0x4D0] =	vst v13;
	v4 =	vld [tilespmem:$0x140]  }
0x9e: {  	[tilespmem:$0x450] =	vst v8;
	v8 =	vld [tilespmem:$0x130]  }
0x9f: {  	[tilespmem:$0x2B0] =	vst v14;
	v10 =	vld [tilespmem:$0x120]  }
0xa0: {  	[tilespmem:$0x4C0] =	vst v18;
	v11 =	vld [tilespmem:$0x110];
	v1 =	vshll.u32 v1, $0x7  }
0xa1: {  	v12 =	vld [tilespmem:$0x100];
	v13 =	vshll.u32 v2, $0x7;
	[tilespmem:$0x360] =	vst v1;
	v1 =	vor.u32 $0x1, v1  }
0xa2: {  	[tilespmem:$0x240] =	vst v5;
	v14 =	vshll.u32 v4, $0x7;
	v17 =	vor.u32 $0x1, v13  }
0xa3: {  	v8 =	vshll.u32 v8, $0x7;
	v18 =	vor.u32 $0x1, v14;
	[tilespmem:$0x560] =	vst v1  }
0xa4: {  	[tilespmem:$0x4B0] =	vst v3;
	v10 =	vshll.u32 v10, $0x7;
	v20 =	vor.u32 $0x1, v8  }
0xa5: {  	[tilespmem:$0x440] =	vst v15;
	v3 =	vshll.u32 v11, $0x7;
	v5 =	vor.u32 $0x1, v10  }
0xa6: {  	v2 =	vshll.u32 v12, $0x7;
	v4 =	vor.u32 $0x1, v3;
	[tilespmem:$0x350] =	vst v13  }
0xa7: {  	v1 =	vor.u32 $0x1, v2;
	[tilespmem:$0x550] =	vst v17  }
0xa8: {  	[tilespmem:$0x2A0] =	vst v9  }
0xa9: {  	[tilespmem:$0x340] =	vst v14  }
0xaa: {  	[tilespmem:$0x4A0] =	vst v16  }
0xab: {  	[tilespmem:$0x540] =	vst v18  }
0xac: {  	[tilespmem:$0x290] =	vst v6;
	v11 =	vld [tilespmem:$0x1A0]  }
.Ltmp1:
0xad: {  	[tilespmem:$0x330] =	vst v8;
	v6 =	vld [tilespmem:$0x190];
	(pc) =	sbr.rel @p0 .LBB2_1-.Ltmp1, $4  }
0xae: {  	[tilespmem:$0x490] =	vst v19;
	v9 =	vld [tilespmem:$0x180]  }
0xaf: {  	[tilespmem:$0x530] =	vst v20;
	v8 =	vld [tilespmem:$0x170]  }
0xb0: {  	[tilespmem:$0x280] =	vst v7  }
0xb1: {  	[tilespmem:$0x320] =	vst v10;
	v7 =	vshll.u32 v11, $0x7  }
.LBB2_2:
0xb2: {  	[tilespmem:$0x3A0] =	vst v7  }
0xb3: {  	[tilespmem:$0x480] =	vst v0  }
0xb4: {  	[tilespmem:$0x520] =	vst v5  }
0xb5: {  	[tilespmem:$0x310] =	vst v3  }
0xb6: {  	[tilespmem:$0x510] =	vst v4  }
0xb7: {  	[tilespmem:$0x300] =	vst v2  }
0xb8: {  	[tilespmem:$0x500] =	vst v1;
	v60 =	vor.u32 $0x1, v7  }
0xb9: {  	v52 =	vshll.u32 v9, $0x7;
	[tilespmem:$0x5A0] =	vst v60  }
0xba: {  	v54 =	vld [tilespmem:$0x1D0];
	[tilespmem:$0x380] =	vst v52;
	v53 =	vshll.u32 v6, $0x7  }
0xbb: {  	v57 =	vld [tilespmem:$0x1E0];
	v0 =	vor.u32 $0x1, v52;
	[tilespmem:$0x390] =	vst v53  }
0xbc: {  	v58 =	vld [tilespmem:$0x1C0];
	v55 =	vshll.u32 v8, $0x7;
	[tilespmem:$0x580] =	vst v0  }
0xbd: {  	[tilespmem:$0x370] =	vst v55;
	v59 =	vor.u32 $0x1, v53  }
0xbe: {  	v0 =	vor.u32 $0x1, v55;
	[tilespmem:$0x590] =	vst v59  }
0xbf: {  	[tilespmem:$0x570] =	vst v0;
	v56 =	vshll.u32 v54, $0x7  }
0xc0: {  	v61 =	vshll.u32 v57, $0x7;
	[tilespmem:$0x3D0] =	vst v56  }
0xc1: {  	v62 =	vshll.u32 v58, $0x7;
	[tilespmem:$0x3E0] =	vst v61  }
0xc2: {  	v2 =	vor.u32 $0x1, v56;
	[tilespmem:$0x3C0] =	vst v62  }
0xc3: {  	v1 =	vor.u32 $0x1, v61;
	[tilespmem:$0x5D0] =	vst v2  }
0xc4: {  	v63 =	vor.u32 $0x1, v62;
	[tilespmem:$0x5E0] =	vst v1  }
0xc5: {  	[tilespmem:$0x5C0] =	vst v63  }
0xc6: {  	[tilespmem:s8], [sflag:$0x1] =	stream.indirect.gather [hbm4b:s9+s3], $0x1, s10, s3, $0xb8;
	[tilespmem:$0xA00] =	vst v63  }
0xc7: {  	_ = 	snop  }
0xc8: {  	[tilespmem:s13], [sflag:$0x1] =	stream.indirect.gather [hbm4b:s9+s3], $0x1, s11, s3, $0xb8;
	[tilespmem:$0xA00] =	vst v63  }
0xc9: {  	_ = 	snop  }
0xca: {  	[tilespmem:s15], [sflag:$0x1] =	stream.indirect.gather [hbm4b:s9+s3], $0x1, s14, s3, $0xb8;
	[tilespmem:$0xA00] =	vst v63  }
0xcb: {  	_ = 	snop  }
0xcc: {  	[tilespmem:s17], [sflag:$0x1] =	stream.indirect.gather [hbm4b:s9+s3], $0x1, s16, s3, $0xb8;
	[tilespmem:$0xA00] =	vst v63  }
0xcd: {  	_ = 	snop  }
0xce: {  	[tilespmem:s18], [sflag:$0x1] =	stream.indirect.gather [hbm4b:s9+s3], $0x1, s4, s3, $0xb8;
	[tilespmem:$0xA00] =	vst v63  }
0xcf: {  	_ = 	snop  }
0xd0: {  	[tilespmem:s20], [sflag:$0x1] =	stream.indirect.gather [hbm4b:s9+s3], $0x1, s19, s3, $0xb8;
	[tilespmem:$0xA00] =	vst v63  }
0xd1: {  	_ = 	snop  }
0xd2: {  	[tilespmem:s22], [sflag:$0x1] =	stream.indirect.gather [hbm4b:s9+s3], $0x1, s21, s3, $0xb8;
	[tilespmem:$0xA00] =	vst v63  }
0xd3: {  	_ = 	snop  }
0xd4: {  	[tilespmem:s24], [sflag:$0x1] =	stream.indirect.gather [hbm4b:s9+s3], $0x1, s23, s3, $0xb8;
	[tilespmem:$0xA00] =	vst v63  }
0xd5: {  	_ =	swait.ge [sflag:s12], $0x80  }
0xd6: {  	[sflag:s12] =	ssyncset.done $0x0  }
0xd7: {  	[sflag:s12] =	ssyncadd.s32 $0xFFFFFF80  }
0xd8: {  	_ =	swait.ge [sflag:s12], $0x80  }
0xd9: {  	[sflag:s12] =	ssyncset.done $0x0  }
0xda: {  	[sflag:s12] =	ssyncadd.s32 $0xFFFFFF80  }
0xdb: {  	_ =	swait.ge [sflag:s12], $0x80  }
0xdc: {  	[sflag:s12] =	ssyncset.done $0x0  }
0xdd: {  	[sflag:s12] =	ssyncadd.s32 $0xFFFFFF80  }
0xde: {  	_ =	swait.ge [sflag:s12], $0x80  }
0xdf: {  	[sflag:s12] =	ssyncset.done $0x0  }
0xe0: {  	[sflag:s12] =	ssyncadd.s32 $0xFFFFFF80  }
0xe1: {  	_ =	swait.ge [sflag:s12], $0x80  }
0xe2: {  	[sflag:s12] =	ssyncset.done $0x0  }
0xe3: {  	[sflag:s12] =	ssyncadd.s32 $0xFFFFFF80  }
0xe4: {  	_ =	swait.ge [sflag:s12], $0x80  }
0xe5: {  	[sflag:s12] =	ssyncset.done $0x0  }
0xe6: {  	[sflag:s12] =	ssyncadd.s32 $0xFFFFFF80  }
0xe7: {  	_ =	swait.ge [sflag:s12], $0x80  }
0xe8: {  	[sflag:s12] =	ssyncset.done $0x0  }
0xe9: {  	[sflag:s12] =	ssyncadd.s32 $0xFFFFFF80  }
0xea: {  	_ =	swait.ge [sflag:s12], $0x80  }
0xeb: {  	[sflag:s12] =	ssyncset.done $0x0  }
0xec: {  	[sflag:s12] =	ssyncadd.s32 $0xFFFFFF80  }
0xed: {  	[hbm4b:s7+s3] =	stream.strided.scatter [tilespmem:s8], [sflag:$0x2], $0x400, s4, s3, $0x38;
	[tilespmem:$0xA00] =	vst v63  }
0xee: {  	_ =	swait.ge [sflag:s2], $0x400  }
0xef: {  	[sflag:s2] =	ssyncset.done $0x0  }
0xf0: {  	[sflag:s2] =	ssyncadd.s32 $0xFFFFFC00  }
0xf1: {  	_ =	sfence.sel $0x180000  }
0xf2: {  	[bflag:$0x0] =	sbarrier.arrive $0xFFFF  }
0xf3: {  	p0 =	sne.s32 s0, $0x0;
	_ =	strace $0x90000047  }
0xf4: {  	s0 =	sadd.s32 @!p0 $0x100000, s1;
	[bflag:$0x2] =	sbarrier.arrive $0xFFFF  }
0xf5: {  	[sflag:s0] =	ssyncadd.tile.s32 @!p0 $0x1;
	_ =	shalt  }
.Lfunc_end2:
_tile_overlayer_lowered:
.L_overlay_start_2:
0xf6: {  	(tag) =	ssettag $0x2  }
0xf7: {  	s0 =	rddreg [dreg:$0x0];
	s2 =	stileid.u32  }
0xf8: {  	s1 =	rddreg [dreg:$0x1];
	p0 =	sne.s32 s2, $0x0  }
0xf9: {  	s3 =	rddreg [dreg:$0x2];
	[bflag:$0x3] =	sbarrier.arrive $0xFFFF;
	s2 =	simm.s32 @!p0 $0x1C02  }
0xfa: {  	[timem:s3], [sflag:s2] =	dma.local @!p0 [hbm:s0], s1  }
0xfb: {  	s0 =	simm.s32 @!p0 $0x2  }
0xfc: {  	_ =	swait.ge @!p0 [sflag:s0], s1  }
0xfd: {  	s1 =	ssub.s32 @!p0 $0x0, s1;
	[sflag:s0] =	ssyncset.done @!p0 $0x0  }
0xfe: {  	[sflag:s0] =	ssyncadd.s32 @!p0 s1  }
0xff: {  	[bflag:$0x3] =	sbarrier.arrive $0xFFFF  }
0x100: {  	_ =	shalt  }

</sc_bundles>
